<compile_context>
chip_gen: v7x
topology: tpu7x:2x2x1
jax: 0.10.2.dev20260603
libtpu: 0.0.44.dev20260713+nightly
codegen_flags: <defaults>
</compile_context>

<pallas_src>
import functools

import jax
import jax.numpy as jnp
from jax import lax
from jax.experimental import pallas as pl
from jax.experimental.pallas import tpu as pltpu
from jax.experimental.pallas import tpu_sc as plsc

_LANES = 16
_ROW_UNROLL = 1
_NSUB = 4


@functools.lru_cache(maxsize=None)
def _build(bs: int, seq_len: int, dim: int):
    info = plsc.get_sparse_core_info()
    nc, ns = info.num_cores, info.num_subcores
    nw = nc * ns
    num_rows = bs * seq_len
    assert num_rows % (nw * _NSUB) == 0
    chunk = num_rows // nw
    sub = chunk // _NSUB
    assert sub % 8 == 0 and sub % _ROW_UNROLL == 0
    assert seq_len % chunk == 0 and dim % _LANES == 0
    tiles_per_b = seq_len // chunk
    nslots = seq_len // (chunk * nc)
    assert nslots >= 1 and ns % nslots == 0

    mesh = plsc.VectorSubcoreMesh(core_axis_name="c", subcore_axis_name="s")

    @functools.partial(
        pl.kernel,
        mesh=mesh,
        out_type=jax.ShapeDtypeStruct((bs, seq_len, dim), jnp.float32),
        scratch_types=[
            pltpu.VMEM((chunk,), jnp.int32),
            pltpu.VMEM((chunk, dim), jnp.float32),
            pltpu.VMEM((chunk, dim), jnp.float32),
            pltpu.VMEM_SHARED((nslots, chunk, dim), jnp.float32),
            pltpu.SemaphoreType.DMA,
            pltpu.SemaphoreType.DMA,
            pltpu.SemaphoreType.DMA,
            pltpu.SemaphoreType.DMA,
        ],
    )
    def embed(idx_hbm, tok_hbm, pos_hbm, out_hbm, idx_v, rows_v, pos_v,
              pos_sh, gsem, osem, ssem, psem):
        cid = lax.axis_index("c")
        sid = lax.axis_index("s")
        wid = sid * nc + cid
        b = wid // tiles_per_b
        col = (wid % tiles_per_b) * chunk

        pltpu.sync_copy(idx_hbm.at[b, pl.ds(col, chunk)], idx_v)
        gathers = []
        for k in range(_NSUB):
            gathers.append(pltpu.async_copy(
                tok_hbm.at[idx_v.at[pl.ds(k * sub, sub)]],
                rows_v.at[pl.ds(k * sub, sub)], gsem))

        @pl.when(sid < nslots)
        def _stage():
            start = (nc * sid + cid) * chunk
            pltpu.async_copy(
                pos_hbm.at[pl.ds(start, chunk)], pos_sh.at[sid], ssem).wait()

        plsc.subcore_barrier()
        poscps = []
        for k in range(_NSUB):
            poscps.append(pltpu.async_copy(
                pos_sh.at[sid % nslots, pl.ds(k * sub, sub)],
                pos_v.at[pl.ds(k * sub, sub)], psem))

        stores = []
        for k in range(_NSUB):
            gathers[k].wait()
            poscps[k].wait()

            def add_rows(i, _, k=k):
                r = k * sub + i
                for j in range(dim // _LANES):
                    sl = pl.ds(j * _LANES, _LANES)
                    plsc.addupdate(rows_v.at[r, sl], pos_v[r, sl])
                return 0

            lax.fori_loop(0, sub, add_rows, 0)
            stores.append(pltpu.async_copy(
                rows_v.at[pl.ds(k * sub, sub)],
                out_hbm.at[b, pl.ds(col + k * sub, sub)], osem))
        for st in stores:
            st.wait()

    return embed


def kernel(tok_idx, tok_table, pos_table):
    bs, seq_len = tok_idx.shape
    dim = tok_table.shape[1]
    embed = _build(bs, seq_len, dim)
    return embed(tok_idx.astype(jnp.int32), tok_table, pos_table)

# --- scband reference (transcript-rebuilt; emitter-appended) ---
"""Pipeline reference for scband-gpt-input-embedding-54606214202192 (READ-ONLY COPY).

The authoritative reference and input builder live on the scoring server;
editing this copy changes nothing except your own understanding.
"""

import jax, jax.numpy as jnp
import numpy as np

VOCAB = 100000
CTX = 2048
DIM = 128
B = 4
S = 2048

def setup_inputs(seed: int = 0) -> dict:
    key = jax.random.key(seed)
    k1, k2, k3 = jax.random.split(key, 3)
    tok_idx = jax.random.randint(k1, (B, S), 0, VOCAB, dtype=jnp.int64 if jax.config.jax_enable_x64 else jnp.int32)
    tok_table = jax.random.normal(k2, (VOCAB, DIM), dtype=jnp.float32)
    pos_table = jax.random.normal(k3, (CTX, DIM), dtype=jnp.float32)
    return {"tok_idx": tok_idx, "tok_table": tok_table, "pos_table": pos_table}

def reference(tok_idx, tok_table, pos_table):
    bs, seq_len = tok_idx.shape
    tok_embeds = jnp.take(tok_table, tok_idx, axis=0)            # [B, S, D] gather
    pos_embeds = jnp.take(pos_table, jnp.arange(seq_len), axis=0)  # [S, D]
    input_embeds = tok_embeds + pos_embeds[None, :, :]
    # dropout is identity in eval/inference mode
    return input_embeds

if __name__ == "__main__":
    import jax
    _d = setup_inputs()
    print(jax.jit(kernel)(*tuple(_d.values())))

</pallas_src>

<mosaic_0001>
#map = affine_map<(d0, d1) -> (0, 0)>
#map1 = affine_map<(d0, d1) -> (0, 0, 0)>
module attributes {stable_mosaic.version = 14 : i64} {
  func.func @embed(%arg0: i32, %arg1: i32, %arg2: memref<4x2048xi32, #tpu.memory_space<hbm>>, %arg3: memref<100000x128xf32, #tpu.memory_space<hbm>>, %arg4: memref<2048x128xf32, #tpu.memory_space<hbm>>, %arg5: memref<4x2048x128xf32, #tpu.memory_space<hbm>>, %arg6: memref<256xi32, #tpu.memory_space<vmem>>, %arg7: memref<256x128xf32, #tpu.memory_space<vmem>>, %arg8: memref<256x128xf32, #tpu.memory_space<vmem>>, %arg9: memref<4x256x128xf32, #tpu.memory_space<vmem_shared>>, %arg10: memref<!tpu.dma_semaphore, #tpu.memory_space<semaphore_mem>>, %arg11: memref<!tpu.dma_semaphore, #tpu.memory_space<semaphore_mem>>, %arg12: memref<!tpu.dma_semaphore, #tpu.memory_space<semaphore_mem>>, %arg13: memref<!tpu.dma_semaphore, #tpu.memory_space<semaphore_mem>>) attributes {dimension_semantics = [#tpu.dimension_semantics<core_parallel>, #tpu.dimension_semantics<subcore_parallel>], iteration_bounds = array<i64: 2, 16>, scalar_prefetch = 0 : i64, scratch_operands = 8 : i64, tpu.core_type = #tpu.core_type<sc_vector_subcore>, window_params = [{transform_indices = #map}, {transform_indices = #map}, {transform_indices = #map}, {transform_indices = #map1}]} {
    %mul3A = arith.constant 2 : i32
    %mul3A_0 = arith.muli %arg1, %mul3A : i32
    %add3A = arith.addi %mul3A_0, %arg0 : i32
    %jit3A = arith.constant 8 : i32
    %div3A = arith.divsi %add3A, %jit3A : i32
    %sign3A = arith.constant 0 : i32
    %sign3A_1 = arith.cmpi sgt, %add3A, %sign3A : i32
    %sign3A_2 = arith.extui %sign3A_1 : i1 to i32
    %sign3A_3 = arith.constant 0 : i32
    %sign3A_4 = arith.cmpi slt, %add3A, %sign3A_3 : i32
    %sign3A_5 = arith.extui %sign3A_4 : i1 to i32
    %sign3A_6 = arith.subi %sign3A_2, %sign3A_5 : i32
    %sign3A_7 = arith.constant 0 : i32
    %sign3A_8 = arith.cmpi sgt, %jit3A, %sign3A_7 : i32
    %sign3A_9 = arith.extui %sign3A_8 : i1 to i32
    %sign3A_10 = arith.constant 0 : i32
    %sign3A_11 = arith.cmpi slt, %jit3A, %sign3A_10 : i32
    %sign3A_12 = arith.extui %sign3A_11 : i1 to i32
    %sign3A_13 = arith.subi %sign3A_9, %sign3A_12 : i32
    %ne3A = arith.cmpi ne, %sign3A_6, %sign3A_13 : i32
    %rem3A = arith.remsi %add3A, %jit3A : i32
    %ne3A_14 = arith.constant 0 : i32
    %ne3A_15 = arith.cmpi ne, %rem3A, %ne3A_14 : i32
    %and3A = arith.andi %ne3A, %ne3A_15 : i1
    %sub3A = arith.constant 1 : i32
    %sub3A_16 = arith.subi %div3A, %sub3A : i32
    %select_n3A = arith.select %and3A, %sub3A_16, %div3A : i32
    %jit3A_17 = arith.constant 8 : i32
    %eq3A = arith.constant 0 : i32
    %eq3A_18 = arith.cmpi eq, %jit3A_17, %eq3A : i32
    %jit3A_19 = arith.constant 1 : i32
    %select_n3A_20 = arith.select %eq3A_18, %jit3A_19, %jit3A_17 : i32
    %rem3A_21 = arith.remsi %add3A, %select_n3A_20 : i32
    %ne3A_22 = arith.constant 0 : i32
    %ne3A_23 = arith.cmpi ne, %rem3A_21, %ne3A_22 : i32
    %lt3A = arith.constant 0 : i32
    %lt3A_24 = arith.cmpi slt, %rem3A_21, %lt3A : i32
    %lt3A_25 = arith.constant 0 : i32
    %lt3A_26 = arith.cmpi slt, %select_n3A_20, %lt3A_25 : i32
    %ne3A_27 = arith.xori %lt3A_24, %lt3A_26 : i1
    %and3A_28 = arith.andi %ne3A_27, %ne3A_23 : i1
    %add3A_29 = arith.addi %rem3A_21, %select_n3A_20 : i32
    %select_n3A_30 = arith.select %and3A_28, %add3A_29, %rem3A_21 : i32
    %mul3A_31 = arith.constant 256 : i32
    %mul3A_32 = arith.muli %select_n3A_30, %mul3A_31 : i32
    "tpu.region"() ({
      %run_scoped3A = tpu.sem_alloc : memref<!tpu.dma_semaphore, #tpu.memory_space<semaphore_mem>>
      %dma_start3A_405 = tpu.memref_slice %arg2[%select_n3A, %mul3A_32] : memref<4x2048xi32, #tpu.memory_space<hbm>> -> memref<1x256xi32, #tpu.memory_space<hbm>>
      %dma_start3A_406 = tpu.memref_squeeze %dma_start3A_405 : memref<1x256xi32, #tpu.memory_space<hbm>> -> memref<256xi32, #tpu.memory_space<hbm>>
      %dma_start3A_407 = tpu.memref_slice %arg2[%select_n3A, %mul3A_32] : memref<4x2048xi32, #tpu.memory_space<hbm>> -> memref<1x256xi32, #tpu.memory_space<hbm>>
      %dma_start3A_408 = tpu.memref_squeeze %dma_start3A_407 : memref<1x256xi32, #tpu.memory_space<hbm>> -> memref<256xi32, #tpu.memory_space<hbm>>
      tpu.enqueue_dma source(%dma_start3A_408 : memref<256xi32, #tpu.memory_space<hbm>>) target(%arg6 : memref<256xi32, #tpu.memory_space<vmem>>) target_semaphore(%run_scoped3A : memref<!tpu.dma_semaphore, #tpu.memory_space<semaphore_mem>>)
      %dma_wait3A_409 = tpu.memref_slice %arg2[%select_n3A, %mul3A_32] : memref<4x2048xi32, #tpu.memory_space<hbm>> -> memref<1x256xi32, #tpu.memory_space<hbm>>
      %dma_wait3A_410 = tpu.memref_squeeze %dma_wait3A_409 : memref<1x256xi32, #tpu.memory_space<hbm>> -> memref<256xi32, #tpu.memory_space<hbm>>
      %dma_wait3A_411 = tpu.memref_slice %arg2[%select_n3A, %mul3A_32] : memref<4x2048xi32, #tpu.memory_space<hbm>> -> memref<1x256xi32, #tpu.memory_space<hbm>>
      %dma_wait3A_412 = tpu.memref_squeeze %dma_wait3A_411 : memref<1x256xi32, #tpu.memory_space<hbm>> -> memref<256xi32, #tpu.memory_space<hbm>>
      tpu.wait_dma2 semaphore(%run_scoped3A : memref<!tpu.dma_semaphore, #tpu.memory_space<semaphore_mem>>) src(%dma_wait3A_412 : memref<256xi32, #tpu.memory_space<hbm>>) dst(%arg6 : memref<256xi32, #tpu.memory_space<vmem>>)
      tpu.yield
    }) : () -> ()
    %dma_start3A = arith.constant 0 : i32
    %dma_start3A_33 = arith.constant 0 : i32
    %dma_start3A_34 = tpu.memref_slice %arg7[%dma_start3A, %dma_start3A_33] : memref<256x128xf32, #tpu.memory_space<vmem>> -> memref<64x128xf32, #tpu.memory_space<vmem>>
    %dma_start3A_35 = arith.constant 0 : i32
    %dma_start3A_36 = tpu.memref_slice %arg6[%dma_start3A_35] : memref<256xi32, #tpu.memory_space<vmem>> -> memref<64xi32, #tpu.memory_space<vmem>>
    %dma_start3A_37 = arith.constant 0 : i32
    %dma_start3A_38 = arith.constant 0 : i32
    %dma_start3A_39 = tpu.memref_slice %arg3[%dma_start3A_37, %dma_start3A_38] : memref<100000x128xf32, #tpu.memory_space<hbm>> -> memref<100000x128xf32, #tpu.memory_space<hbm>>
    tpu.enqueue_indirect_dma source(%dma_start3A_39 : memref<100000x128xf32, #tpu.memory_space<hbm>>) target(%dma_start3A_34 : memref<64x128xf32, #tpu.memory_space<vmem>>) offsets(%dma_start3A_36 : memref<64xi32, #tpu.memory_space<vmem>>) semaphore(%arg10 : memref<!tpu.dma_semaphore, #tpu.memory_space<semaphore_mem>>)
    %dma_start3A_40 = arith.constant 64 : i32
    %dma_start3A_41 = arith.constant 0 : i32
    %dma_start3A_42 = tpu.memref_slice %arg7[%dma_start3A_40, %dma_start3A_41] : memref<256x128xf32, #tpu.memory_space<vmem>> -> memref<64x128xf32, #tpu.memory_space<vmem>>
    %dma_start3A_43 = arith.constant 64 : i32
    %dma_start3A_44 = tpu.memref_slice %arg6[%dma_start3A_43] : memref<256xi32, #tpu.memory_space<vmem>> -> memref<64xi32, #tpu.memory_space<vmem>>
    %dma_start3A_45 = arith.constant 0 : i32
    %dma_start3A_46 = arith.constant 0 : i32
    %dma_start3A_47 = tpu.memref_slice %arg3[%dma_start3A_45, %dma_start3A_46] : memref<100000x128xf32, #tpu.memory_space<hbm>> -> memref<100000x128xf32, #tpu.memory_space<hbm>>
    tpu.enqueue_indirect_dma source(%dma_start3A_47 : memref<100000x128xf32, #tpu.memory_space<hbm>>) target(%dma_start3A_42 : memref<64x128xf32, #tpu.memory_space<vmem>>) offsets(%dma_start3A_44 : memref<64xi32, #tpu.memory_space<vmem>>) semaphore(%arg10 : memref<!tpu.dma_semaphore, #tpu.memory_space<semaphore_mem>>)
    %dma_start3A_48 = arith.constant 128 : i32
    %dma_start3A_49 = arith.constant 0 : i32
    %dma_start3A_50 = tpu.memref_slice %arg7[%dma_start3A_48, %dma_start3A_49] : memref<256x128xf32, #tpu.memory_space<vmem>> -> memref<64x128xf32, #tpu.memory_space<vmem>>
    %dma_start3A_51 = arith.constant 128 : i32
    %dma_start3A_52 = tpu.memref_slice %arg6[%dma_start3A_51] : memref<256xi32, #tpu.memory_space<vmem>> -> memref<64xi32, #tpu.memory_space<vmem>>
    %dma_start3A_53 = arith.constant 0 : i32
    %dma_start3A_54 = arith.constant 0 : i32
    %dma_start3A_55 = tpu.memref_slice %arg3[%dma_start3A_53, %dma_start3A_54] : memref<100000x128xf32, #tpu.memory_space<hbm>> -> memref<100000x128xf32, #tpu.memory_space<hbm>>
    tpu.enqueue_indirect_dma source(%dma_start3A_55 : memref<100000x128xf32, #tpu.memory_space<hbm>>) target(%dma_start3A_50 : memref<64x128xf32, #tpu.memory_space<vmem>>) offsets(%dma_start3A_52 : memref<64xi32, #tpu.memory_space<vmem>>) semaphore(%arg10 : memref<!tpu.dma_semaphore, #tpu.memory_space<semaphore_mem>>)
    %dma_start3A_56 = arith.constant 192 : i32
    %dma_start3A_57 = arith.constant 0 : i32
    %dma_start3A_58 = tpu.memref_slice %arg7[%dma_start3A_56, %dma_start3A_57] : memref<256x128xf32, #tpu.memory_space<vmem>> -> memref<64x128xf32, #tpu.memory_space<vmem>>
    %dma_start3A_59 = arith.constant 192 : i32
    %dma_start3A_60 = tpu.memref_slice %arg6[%dma_start3A_59] : memref<256xi32, #tpu.memory_space<vmem>> -> memref<64xi32, #tpu.memory_space<vmem>>
    %dma_start3A_61 = arith.constant 0 : i32
    %dma_start3A_62 = arith.constant 0 : i32
    %dma_start3A_63 = tpu.memref_slice %arg3[%dma_start3A_61, %dma_start3A_62] : memref<100000x128xf32, #tpu.memory_space<hbm>> -> memref<100000x128xf32, #tpu.memory_space<hbm>>
    tpu.enqueue_indirect_dma source(%dma_start3A_63 : memref<100000x128xf32, #tpu.memory_space<hbm>>) target(%dma_start3A_58 : memref<64x128xf32, #tpu.memory_space<vmem>>) offsets(%dma_start3A_60 : memref<64xi32, #tpu.memory_space<vmem>>) semaphore(%arg10 : memref<!tpu.dma_semaphore, #tpu.memory_space<semaphore_mem>>)
    %lt3A_64 = arith.constant 4 : i32
    %lt3A_65 = arith.cmpi slt, %arg1, %lt3A_64 : i32
    %convert_element_type3A = arith.extui %lt3A_65 : i1 to i32
    %cond3A = arith.constant 0 : i32
    %cond3A_66 = arith.cmpi ne, %convert_element_type3A, %cond3A : i32
    scf.if %cond3A_66 {
      %mul3A_405 = arith.constant 2 : i32
      %mul3A_406 = arith.muli %mul3A_405, %arg1 : i32
      %add3A_407 = arith.addi %mul3A_406, %arg0 : i32
      %mul3A_408 = arith.constant 256 : i32
      %mul3A_409 = arith.muli %add3A_407, %mul3A_408 : i32
      %dma_start3A_410 = arith.constant 0 : i32
      %dma_start3A_411 = arith.constant 0 : i32
      %dma_start3A_412 = tpu.memref_slice %arg9[%arg1, %dma_start3A_410, %dma_start3A_411] : memref<4x256x128xf32, #tpu.memory_space<vmem_shared>> -> memref<1x256x128xf32, #tpu.memory_space<vmem_shared>>
      %dma_start3A_413 = tpu.memref_squeeze %dma_start3A_412 : memref<1x256x128xf32, #tpu.memory_space<vmem_shared>> -> memref<256x128xf32, #tpu.memory_space<vmem_shared>>
      %dma_start3A_414 = arith.constant 0 : i32
      %dma_start3A_415 = tpu.memref_slice %arg4[%mul3A_409, %dma_start3A_414] : memref<2048x128xf32, #tpu.memory_space<hbm>> -> memref<256x128xf32, #tpu.memory_space<hbm>>
      tpu.enqueue_dma source(%dma_start3A_415 : memref<256x128xf32, #tpu.memory_space<hbm>>) target(%dma_start3A_413 : memref<256x128xf32, #tpu.memory_space<vmem_shared>>) target_semaphore(%arg12 : memref<!tpu.dma_semaphore, #tpu.memory_space<semaphore_mem>>)
      %dma_wait3A_416 = arith.constant 0 : i32
      %dma_wait3A_417 = arith.constant 0 : i32
      %dma_wait3A_418 = tpu.memref_slice %arg9[%arg1, %dma_wait3A_416, %dma_wait3A_417] : memref<4x256x128xf32, #tpu.memory_space<vmem_shared>> -> memref<1x256x128xf32, #tpu.memory_space<vmem_shared>>
      %dma_wait3A_419 = tpu.memref_squeeze %dma_wait3A_418 : memref<1x256x128xf32, #tpu.memory_space<vmem_shared>> -> memref<256x128xf32, #tpu.memory_space<vmem_shared>>
      %dma_wait3A_420 = arith.constant 0 : i32
      %dma_wait3A_421 = tpu.memref_slice %arg4[%mul3A_409, %dma_wait3A_420] : memref<2048x128xf32, #tpu.memory_space<hbm>> -> memref<256x128xf32, #tpu.memory_space<hbm>>
      tpu.wait_dma2 semaphore(%arg12 : memref<!tpu.dma_semaphore, #tpu.memory_space<semaphore_mem>>) src(%dma_wait3A_421 : memref<256x128xf32, #tpu.memory_space<hbm>>) dst(%dma_wait3A_419 : memref<256x128xf32, #tpu.memory_space<vmem_shared>>)
    } else {
    }
    %barrier3A = arith.constant 0 : index
    tpu.barrier barrier_id(%barrier3A)
    %jit3A_67 = arith.constant 4 : i32
    %eq3A_68 = arith.constant 0 : i32
    %eq3A_69 = arith.cmpi eq, %jit3A_67, %eq3A_68 : i32
    %jit3A_70 = arith.constant 1 : i32
    %select_n3A_71 = arith.select %eq3A_69, %jit3A_70, %jit3A_67 : i32
    %rem3A_72 = arith.remsi %arg1, %select_n3A_71 : i32
    %ne3A_73 = arith.constant 0 : i32
    %ne3A_74 = arith.cmpi ne, %rem3A_72, %ne3A_73 : i32
    %lt3A_75 = arith.constant 0 : i32
    %lt3A_76 = arith.cmpi slt, %rem3A_72, %lt3A_75 : i32
    %lt3A_77 = arith.constant 0 : i32
    %lt3A_78 = arith.cmpi slt, %select_n3A_71, %lt3A_77 : i32
    %ne3A_79 = arith.xori %lt3A_76, %lt3A_78 : i1
    %and3A_80 = arith.andi %ne3A_79, %ne3A_74 : i1
    %add3A_81 = arith.addi %rem3A_72, %select_n3A_71 : i32
    %select_n3A_82 = arith.select %and3A_80, %add3A_81, %rem3A_72 : i32
    %dma_start3A_83 = arith.constant 0 : i32
    %dma_start3A_84 = arith.constant 0 : i32
    %dma_start3A_85 = tpu.memref_slice %arg8[%dma_start3A_83, %dma_start3A_84] : memref<256x128xf32, #tpu.memory_space<vmem>> -> memref<64x128xf32, #tpu.memory_space<vmem>>
    %dma_start3A_86 = arith.constant 0 : i32
    %dma_start3A_87 = arith.constant 0 : i32
    %dma_start3A_88 = tpu.memref_slice %arg9[%select_n3A_82, %dma_start3A_86, %dma_start3A_87] : memref<4x256x128xf32, #tpu.memory_space<vmem_shared>> -> memref<1x64x128xf32, #tpu.memory_space<vmem_shared>>
    %dma_start3A_89 = tpu.memref_squeeze %dma_start3A_88 : memref<1x64x128xf32, #tpu.memory_space<vmem_shared>> -> memref<64x128xf32, #tpu.memory_space<vmem_shared>>
    %dma_start3A_90 = arith.constant 0 : i32
    %dma_start3A_91 = arith.constant 0 : i32
    %dma_start3A_92 = tpu.memref_slice %arg8[%dma_start3A_90, %dma_start3A_91] : memref<256x128xf32, #tpu.memory_space<vmem>> -> memref<64x128xf32, #tpu.memory_space<vmem>>
    %dma_start3A_93 = arith.constant 0 : i32
    %dma_start3A_94 = arith.constant 0 : i32
    %dma_start3A_95 = tpu.memref_slice %arg9[%select_n3A_82, %dma_start3A_93, %dma_start3A_94] : memref<4x256x128xf32, #tpu.memory_space<vmem_shared>> -> memref<1x64x128xf32, #tpu.memory_space<vmem_shared>>
    %dma_start3A_96 = tpu.memref_squeeze %dma_start3A_95 : memref<1x64x128xf32, #tpu.memory_space<vmem_shared>> -> memref<64x128xf32, #tpu.memory_space<vmem_shared>>
    tpu.enqueue_dma source(%dma_start3A_96 : memref<64x128xf32, #tpu.memory_space<vmem_shared>>) target(%dma_start3A_92 : memref<64x128xf32, #tpu.memory_space<vmem>>) target_semaphore(%arg13 : memref<!tpu.dma_semaphore, #tpu.memory_space<semaphore_mem>>)
    %jit3A_97 = arith.constant 4 : i32
    %eq3A_98 = arith.constant 0 : i32
    %eq3A_99 = arith.cmpi eq, %jit3A_97, %eq3A_98 : i32
    %jit3A_100 = arith.constant 1 : i32
    %select_n3A_101 = arith.select %eq3A_99, %jit3A_100, %jit3A_97 : i32
    %rem3A_102 = arith.remsi %arg1, %select_n3A_101 : i32
    %ne3A_103 = arith.constant 0 : i32
    %ne3A_104 = arith.cmpi ne, %rem3A_102, %ne3A_103 : i32
    %lt3A_105 = arith.constant 0 : i32
    %lt3A_106 = arith.cmpi slt, %rem3A_102, %lt3A_105 : i32
    %lt3A_107 = arith.constant 0 : i32
    %lt3A_108 = arith.cmpi slt, %select_n3A_101, %lt3A_107 : i32
    %ne3A_109 = arith.xori %lt3A_106, %lt3A_108 : i1
    %and3A_110 = arith.andi %ne3A_109, %ne3A_104 : i1
    %add3A_111 = arith.addi %rem3A_102, %select_n3A_101 : i32
    %select_n3A_112 = arith.select %and3A_110, %add3A_111, %rem3A_102 : i32
    %dma_start3A_113 = arith.constant 64 : i32
    %dma_start3A_114 = arith.constant 0 : i32
    %dma_start3A_115 = tpu.memref_slice %arg8[%dma_start3A_113, %dma_start3A_114] : memref<256x128xf32, #tpu.memory_space<vmem>> -> memref<64x128xf32, #tpu.memory_space<vmem>>
    %dma_start3A_116 = arith.constant 64 : i32
    %dma_start3A_117 = arith.constant 0 : i32
    %dma_start3A_118 = tpu.memref_slice %arg9[%select_n3A_112, %dma_start3A_116, %dma_start3A_117] : memref<4x256x128xf32, #tpu.memory_space<vmem_shared>> -> memref<1x64x128xf32, #tpu.memory_space<vmem_shared>>
    %dma_start3A_119 = tpu.memref_squeeze %dma_start3A_118 : memref<1x64x128xf32, #tpu.memory_space<vmem_shared>> -> memref<64x128xf32, #tpu.memory_space<vmem_shared>>
    %dma_start3A_120 = arith.constant 64 : i32
    %dma_start3A_121 = arith.constant 0 : i32
    %dma_start3A_122 = tpu.memref_slice %arg8[%dma_start3A_120, %dma_start3A_121] : memref<256x128xf32, #tpu.memory_space<vmem>> -> memref<64x128xf32, #tpu.memory_space<vmem>>
    %dma_start3A_123 = arith.constant 64 : i32
    %dma_start3A_124 = arith.constant 0 : i32
    %dma_start3A_125 = tpu.memref_slice %arg9[%select_n3A_112, %dma_start3A_123, %dma_start3A_124] : memref<4x256x128xf32, #tpu.memory_space<vmem_shared>> -> memref<1x64x128xf32, #tpu.memory_space<vmem_shared>>
    %dma_start3A_126 = tpu.memref_squeeze %dma_start3A_125 : memref<1x64x128xf32, #tpu.memory_space<vmem_shared>> -> memref<64x128xf32, #tpu.memory_space<vmem_shared>>
    tpu.enqueue_dma source(%dma_start3A_126 : memref<64x128xf32, #tpu.memory_space<vmem_shared>>) target(%dma_start3A_122 : memref<64x128xf32, #tpu.memory_space<vmem>>) target_semaphore(%arg13 : memref<!tpu.dma_semaphore, #tpu.memory_space<semaphore_mem>>)
    %jit3A_127 = arith.constant 4 : i32
    %eq3A_128 = arith.constant 0 : i32
    %eq3A_129 = arith.cmpi eq, %jit3A_127, %eq3A_128 : i32
    %jit3A_130 = arith.constant 1 : i32
    %select_n3A_131 = arith.select %eq3A_129, %jit3A_130, %jit3A_127 : i32
    %rem3A_132 = arith.remsi %arg1, %select_n3A_131 : i32
    %ne3A_133 = arith.constant 0 : i32
    %ne3A_134 = arith.cmpi ne, %rem3A_132, %ne3A_133 : i32
    %lt3A_135 = arith.constant 0 : i32
    %lt3A_136 = arith.cmpi slt, %rem3A_132, %lt3A_135 : i32
    %lt3A_137 = arith.constant 0 : i32
    %lt3A_138 = arith.cmpi slt, %select_n3A_131, %lt3A_137 : i32
    %ne3A_139 = arith.xori %lt3A_136, %lt3A_138 : i1
    %and3A_140 = arith.andi %ne3A_139, %ne3A_134 : i1
    %add3A_141 = arith.addi %rem3A_132, %select_n3A_131 : i32
    %select_n3A_142 = arith.select %and3A_140, %add3A_141, %rem3A_132 : i32
    %dma_start3A_143 = arith.constant 128 : i32
    %dma_start3A_144 = arith.constant 0 : i32
    %dma_start3A_145 = tpu.memref_slice %arg8[%dma_start3A_143, %dma_start3A_144] : memref<256x128xf32, #tpu.memory_space<vmem>> -> memref<64x128xf32, #tpu.memory_space<vmem>>
    %dma_start3A_146 = arith.constant 128 : i32
    %dma_start3A_147 = arith.constant 0 : i32
    %dma_start3A_148 = tpu.memref_slice %arg9[%select_n3A_142, %dma_start3A_146, %dma_start3A_147] : memref<4x256x128xf32, #tpu.memory_space<vmem_shared>> -> memref<1x64x128xf32, #tpu.memory_space<vmem_shared>>
    %dma_start3A_149 = tpu.memref_squeeze %dma_start3A_148 : memref<1x64x128xf32, #tpu.memory_space<vmem_shared>> -> memref<64x128xf32, #tpu.memory_space<vmem_shared>>
    %dma_start3A_150 = arith.constant 128 : i32
    %dma_start3A_151 = arith.constant 0 : i32
    %dma_start3A_152 = tpu.memref_slice %arg8[%dma_start3A_150, %dma_start3A_151] : memref<256x128xf32, #tpu.memory_space<vmem>> -> memref<64x128xf32, #tpu.memory_space<vmem>>
    %dma_start3A_153 = arith.constant 128 : i32
    %dma_start3A_154 = arith.constant 0 : i32
    %dma_start3A_155 = tpu.memref_slice %arg9[%select_n3A_142, %dma_start3A_153, %dma_start3A_154] : memref<4x256x128xf32, #tpu.memory_space<vmem_shared>> -> memref<1x64x128xf32, #tpu.memory_space<vmem_shared>>
    %dma_start3A_156 = tpu.memref_squeeze %dma_start3A_155 : memref<1x64x128xf32, #tpu.memory_space<vmem_shared>> -> memref<64x128xf32, #tpu.memory_space<vmem_shared>>
    tpu.enqueue_dma source(%dma_start3A_156 : memref<64x128xf32, #tpu.memory_space<vmem_shared>>) target(%dma_start3A_152 : memref<64x128xf32, #tpu.memory_space<vmem>>) target_semaphore(%arg13 : memref<!tpu.dma_semaphore, #tpu.memory_space<semaphore_mem>>)
    %jit3A_157 = arith.constant 4 : i32
    %eq3A_158 = arith.constant 0 : i32
    %eq3A_159 = arith.cmpi eq, %jit3A_157, %eq3A_158 : i32
    %jit3A_160 = arith.constant 1 : i32
    %select_n3A_161 = arith.select %eq3A_159, %jit3A_160, %jit3A_157 : i32
    %rem3A_162 = arith.remsi %arg1, %select_n3A_161 : i32
    %ne3A_163 = arith.constant 0 : i32
    %ne3A_164 = arith.cmpi ne, %rem3A_162, %ne3A_163 : i32
    %lt3A_165 = arith.constant 0 : i32
    %lt3A_166 = arith.cmpi slt, %rem3A_162, %lt3A_165 : i32
    %lt3A_167 = arith.constant 0 : i32
    %lt3A_168 = arith.cmpi slt, %select_n3A_161, %lt3A_167 : i32
    %ne3A_169 = arith.xori %lt3A_166, %lt3A_168 : i1
    %and3A_170 = arith.andi %ne3A_169, %ne3A_164 : i1
    %add3A_171 = arith.addi %rem3A_162, %select_n3A_161 : i32
    %select_n3A_172 = arith.select %and3A_170, %add3A_171, %rem3A_162 : i32
    %dma_start3A_173 = arith.constant 192 : i32
    %dma_start3A_174 = arith.constant 0 : i32
    %dma_start3A_175 = tpu.memref_slice %arg8[%dma_start3A_173, %dma_start3A_174] : memref<256x128xf32, #tpu.memory_space<vmem>> -> memref<64x128xf32, #tpu.memory_space<vmem>>
    %dma_start3A_176 = arith.constant 192 : i32
    %dma_start3A_177 = arith.constant 0 : i32
    %dma_start3A_178 = tpu.memref_slice %arg9[%select_n3A_172, %dma_start3A_176, %dma_start3A_177] : memref<4x256x128xf32, #tpu.memory_space<vmem_shared>> -> memref<1x64x128xf32, #tpu.memory_space<vmem_shared>>
    %dma_start3A_179 = tpu.memref_squeeze %dma_start3A_178 : memref<1x64x128xf32, #tpu.memory_space<vmem_shared>> -> memref<64x128xf32, #tpu.memory_space<vmem_shared>>
    %dma_start3A_180 = arith.constant 192 : i32
    %dma_start3A_181 = arith.constant 0 : i32
    %dma_start3A_182 = tpu.memref_slice %arg8[%dma_start3A_180, %dma_start3A_181] : memref<256x128xf32, #tpu.memory_space<vmem>> -> memref<64x128xf32, #tpu.memory_space<vmem>>
    %dma_start3A_183 = arith.constant 192 : i32
    %dma_start3A_184 = arith.constant 0 : i32
    %dma_start3A_185 = tpu.memref_slice %arg9[%select_n3A_172, %dma_start3A_183, %dma_start3A_184] : memref<4x256x128xf32, #tpu.memory_space<vmem_shared>> -> memref<1x64x128xf32, #tpu.memory_space<vmem_shared>>
    %dma_start3A_186 = tpu.memref_squeeze %dma_start3A_185 : memref<1x64x128xf32, #tpu.memory_space<vmem_shared>> -> memref<64x128xf32, #tpu.memory_space<vmem_shared>>
    tpu.enqueue_dma source(%dma_start3A_186 : memref<64x128xf32, #tpu.memory_space<vmem_shared>>) target(%dma_start3A_182 : memref<64x128xf32, #tpu.memory_space<vmem>>) target_semaphore(%arg13 : memref<!tpu.dma_semaphore, #tpu.memory_space<semaphore_mem>>)
    %dma_wait3A = arith.constant 0 : i32
    %dma_wait3A_187 = arith.constant 0 : i32
    %dma_wait3A_188 = tpu.memref_slice %arg7[%dma_wait3A, %dma_wait3A_187] : memref<256x128xf32, #tpu.memory_space<vmem>> -> memref<64x128xf32, #tpu.memory_space<vmem>>
    %dma_wait3A_189 = arith.constant 0 : i32
    %dma_wait3A_190 = tpu.memref_slice %arg6[%dma_wait3A_189] : memref<256xi32, #tpu.memory_space<vmem>> -> memref<64xi32, #tpu.memory_space<vmem>>
    %dma_wait3A_191 = arith.constant 0 : i32
    %dma_wait3A_192 = arith.constant 0 : i32
    %dma_wait3A_193 = tpu.memref_slice %arg3[%dma_wait3A_191, %dma_wait3A_192] : memref<100000x128xf32, #tpu.memory_space<hbm>> -> memref<100000x128xf32, #tpu.memory_space<hbm>>
    tpu.wait_indirect_dma semaphore(%arg10 : memref<!tpu.dma_semaphore, #tpu.memory_space<semaphore_mem>>) src(%dma_wait3A_193 : memref<100000x128xf32, #tpu.memory_space<hbm>>) dst(%dma_wait3A_188 : memref<64x128xf32, #tpu.memory_space<vmem>>)
    %dma_wait3A_194 = arith.constant 0 : i32
    %dma_wait3A_195 = arith.constant 0 : i32
    %dma_wait3A_196 = tpu.memref_slice %arg8[%dma_wait3A_194, %dma_wait3A_195] : memref<256x128xf32, #tpu.memory_space<vmem>> -> memref<64x128xf32, #tpu.memory_space<vmem>>
    %dma_wait3A_197 = arith.constant 0 : i32
    %dma_wait3A_198 = arith.constant 0 : i32
    %dma_wait3A_199 = tpu.memref_slice %arg9[%select_n3A_82, %dma_wait3A_197, %dma_wait3A_198] : memref<4x256x128xf32, #tpu.memory_space<vmem_shared>> -> memref<1x64x128xf32, #tpu.memory_space<vmem_shared>>
    %dma_wait3A_200 = tpu.memref_squeeze %dma_wait3A_199 : memref<1x64x128xf32, #tpu.memory_space<vmem_shared>> -> memref<64x128xf32, #tpu.memory_space<vmem_shared>>
    %dma_wait3A_201 = arith.constant 0 : i32
    %dma_wait3A_202 = arith.constant 0 : i32
    %dma_wait3A_203 = tpu.memref_slice %arg8[%dma_wait3A_201, %dma_wait3A_202] : memref<256x128xf32, #tpu.memory_space<vmem>> -> memref<64x128xf32, #tpu.memory_space<vmem>>
    %dma_wait3A_204 = arith.constant 0 : i32
    %dma_wait3A_205 = arith.constant 0 : i32
    %dma_wait3A_206 = tpu.memref_slice %arg9[%select_n3A_82, %dma_wait3A_204, %dma_wait3A_205] : memref<4x256x128xf32, #tpu.memory_space<vmem_shared>> -> memref<1x64x128xf32, #tpu.memory_space<vmem_shared>>
    %dma_wait3A_207 = tpu.memref_squeeze %dma_wait3A_206 : memref<1x64x128xf32, #tpu.memory_space<vmem_shared>> -> memref<64x128xf32, #tpu.memory_space<vmem_shared>>
    tpu.wait_dma2 semaphore(%arg13 : memref<!tpu.dma_semaphore, #tpu.memory_space<semaphore_mem>>) src(%dma_wait3A_207 : memref<64x128xf32, #tpu.memory_space<vmem_shared>>) dst(%dma_wait3A_203 : memref<64x128xf32, #tpu.memory_space<vmem>>)
    %scan3A = arith.constant 0 : i32
    %scan3A_208 = arith.constant 0 : i32
    %scan3A_209 = arith.constant 64 : i32
    %scan3A_210 = arith.addi %scan3A_208, %scan3A_209 : i32
    %scan3A_211 = arith.constant 1 : i32
    %scan3A_212 = scf.for %scan3A_405 = %scan3A_208 to %scan3A_210 step %scan3A_211 iter_args(%scan3A_406 = %scan3A) -> (i32)  : i32 {
      %add3A_407 = arith.constant 0 : i32
      %add3A_408 = arith.addi %add3A_407, %scan3A_405 : i32
      %get3A = arith.index_cast %add3A_408 : i32 to index
      %get3A_409 = arith.constant 0 : index
      %get3A_410 = tpu.vector_load %arg8[%get3A, %get3A_409] {strides = array<i32>} : memref<256x128xf32, #tpu.memory_space<vmem>>, vector<1x16xf32>,
      %get3A_411 = vector.shape_cast %get3A_410 : vector<1x16xf32> to vector<16xf32>
      %swap3A = arith.index_cast %add3A_408 : i32 to index
      %swap3A_412 = arith.constant 0 : index
      %swap3A_413 = tpu.vector_load %arg7[%swap3A, %swap3A_412] {strides = array<i32>} : memref<256x128xf32, #tpu.memory_space<vmem>>, vector<1x16xf32>,
      %swap3A_414 = vector.shape_cast %swap3A_413 : vector<1x16xf32> to vector<16xf32>
      %swap3A_415 = vector.shape_cast %get3A_411 : vector<16xf32> to vector<1x16xf32>
      tpu.vector_store %arg7[%swap3A, %swap3A_412], %swap3A_415 {add = true, strides = array<i32>} : memref<256x128xf32, #tpu.memory_space<vmem>>, vector<1x16xf32>,
      %get3A_416 = arith.index_cast %add3A_408 : i32 to index
      %get3A_417 = arith.constant 16 : index
      %get3A_418 = tpu.vector_load %arg8[%get3A_416, %get3A_417] {strides = array<i32>} : memref<256x128xf32, #tpu.memory_space<vmem>>, vector<1x16xf32>,
      %get3A_419 = vector.shape_cast %get3A_418 : vector<1x16xf32> to vector<16xf32>
      %swap3A_420 = arith.index_cast %add3A_408 : i32 to index
      %swap3A_421 = arith.constant 16 : index
      %swap3A_422 = tpu.vector_load %arg7[%swap3A_420, %swap3A_421] {strides = array<i32>} : memref<256x128xf32, #tpu.memory_space<vmem>>, vector<1x16xf32>,
      %swap3A_423 = vector.shape_cast %swap3A_422 : vector<1x16xf32> to vector<16xf32>
      %swap3A_424 = vector.shape_cast %get3A_419 : vector<16xf32> to vector<1x16xf32>
      tpu.vector_store %arg7[%swap3A_420, %swap3A_421], %swap3A_424 {add = true, strides = array<i32>} : memref<256x128xf32, #tpu.memory_space<vmem>>, vector<1x16xf32>,
      %get3A_425 = arith.index_cast %add3A_408 : i32 to index
      %get3A_426 = arith.constant 32 : index
      %get3A_427 = tpu.vector_load %arg8[%get3A_425, %get3A_426] {strides = array<i32>} : memref<256x128xf32, #tpu.memory_space<vmem>>, vector<1x16xf32>,
      %get3A_428 = vector.shape_cast %get3A_427 : vector<1x16xf32> to vector<16xf32>
      %swap3A_429 = arith.index_cast %add3A_408 : i32 to index
      %swap3A_430 = arith.constant 32 : index
      %swap3A_431 = tpu.vector_load %arg7[%swap3A_429, %swap3A_430] {strides = array<i32>} : memref<256x128xf32, #tpu.memory_space<vmem>>, vector<1x16xf32>,
      %swap3A_432 = vector.shape_cast %swap3A_431 : vector<1x16xf32> to vector<16xf32>
      %swap3A_433 = vector.shape_cast %get3A_428 : vector<16xf32> to vector<1x16xf32>
      tpu.vector_store %arg7[%swap3A_429, %swap3A_430], %swap3A_433 {add = true, strides = array<i32>} : memref<256x128xf32, #tpu.memory_space<vmem>>, vector<1x16xf32>,
      %get3A_434 = arith.index_cast %add3A_408 : i32 to index
      %get3A_435 = arith.constant 48 : index
      %get3A_436 = tpu.vector_load %arg8[%get3A_434, %get3A_435] {strides = array<i32>} : memref<256x128xf32, #tpu.memory_space<vmem>>, vector<1x16xf32>,
      %get3A_437 = vector.shape_cast %get3A_436 : vector<1x16xf32> to vector<16xf32>
      %swap3A_438 = arith.index_cast %add3A_408 : i32 to index
      %swap3A_439 = arith.constant 48 : index
      %swap3A_440 = tpu.vector_load %arg7[%swap3A_438, %swap3A_439] {strides = array<i32>} : memref<256x128xf32, #tpu.memory_space<vmem>>, vector<1x16xf32>,
      %swap3A_441 = vector.shape_cast %swap3A_440 : vector<1x16xf32> to vector<16xf32>
      %swap3A_442 = vector.shape_cast %get3A_437 : vector<16xf32> to vector<1x16xf32>
      tpu.vector_store %arg7[%swap3A_438, %swap3A_439], %swap3A_442 {add = true, strides = array<i32>} : memref<256x128xf32, #tpu.memory_space<vmem>>, vector<1x16xf32>,
      %get3A_443 = arith.index_cast %add3A_408 : i32 to index
      %get3A_444 = arith.constant 64 : index
      %get3A_445 = tpu.vector_load %arg8[%get3A_443, %get3A_444] {strides = array<i32>} : memref<256x128xf32, #tpu.memory_space<vmem>>, vector<1x16xf32>,
      %get3A_446 = vector.shape_cast %get3A_445 : vector<1x16xf32> to vector<16xf32>
      %swap3A_447 = arith.index_cast %add3A_408 : i32 to index
      %swap3A_448 = arith.constant 64 : index
      %swap3A_449 = tpu.vector_load %arg7[%swap3A_447, %swap3A_448] {strides = array<i32>} : memref<256x128xf32, #tpu.memory_space<vmem>>, vector<1x16xf32>,
      %swap3A_450 = vector.shape_cast %swap3A_449 : vector<1x16xf32> to vector<16xf32>
      %swap3A_451 = vector.shape_cast %get3A_446 : vector<16xf32> to vector<1x16xf32>
      tpu.vector_store %arg7[%swap3A_447, %swap3A_448], %swap3A_451 {add = true, strides = array<i32>} : memref<256x128xf32, #tpu.memory_space<vmem>>, vector<1x16xf32>,
      %get3A_452 = arith.index_cast %add3A_408 : i32 to index
      %get3A_453 = arith.constant 80 : index
      %get3A_454 = tpu.vector_load %arg8[%get3A_452, %get3A_453] {strides = array<i32>} : memref<256x128xf32, #tpu.memory_space<vmem>>, vector<1x16xf32>,
      %get3A_455 = vector.shape_cast %get3A_454 : vector<1x16xf32> to vector<16xf32>
      %swap3A_456 = arith.index_cast %add3A_408 : i32 to index
      %swap3A_457 = arith.constant 80 : index
      %swap3A_458 = tpu.vector_load %arg7[%swap3A_456, %swap3A_457] {strides = array<i32>} : memref<256x128xf32, #tpu.memory_space<vmem>>, vector<1x16xf32>,
      %swap3A_459 = vector.shape_cast %swap3A_458 : vector<1x16xf32> to vector<16xf32>
      %swap3A_460 = vector.shape_cast %get3A_455 : vector<16xf32> to vector<1x16xf32>
      tpu.vector_store %arg7[%swap3A_456, %swap3A_457], %swap3A_460 {add = true, strides = array<i32>} : memref<256x128xf32, #tpu.memory_space<vmem>>, vector<1x16xf32>,
      %get3A_461 = arith.index_cast %add3A_408 : i32 to index
      %get3A_462 = arith.constant 96 : index
      %get3A_463 = tpu.vector_load %arg8[%get3A_461, %get3A_462] {strides = array<i32>} : memref<256x128xf32, #tpu.memory_space<vmem>>, vector<1x16xf32>,
      %get3A_464 = vector.shape_cast %get3A_463 : vector<1x16xf32> to vector<16xf32>
      %swap3A_465 = arith.index_cast %add3A_408 : i32 to index
      %swap3A_466 = arith.constant 96 : index
      %swap3A_467 = tpu.vector_load %arg7[%swap3A_465, %swap3A_466] {strides = array<i32>} : memref<256x128xf32, #tpu.memory_space<vmem>>, vector<1x16xf32>,
      %swap3A_468 = vector.shape_cast %swap3A_467 : vector<1x16xf32> to vector<16xf32>
      %swap3A_469 = vector.shape_cast %get3A_464 : vector<16xf32> to vector<1x16xf32>
      tpu.vector_store %arg7[%swap3A_465, %swap3A_466], %swap3A_469 {add = true, strides = array<i32>} : memref<256x128xf32, #tpu.memory_space<vmem>>, vector<1x16xf32>,
      %get3A_470 = arith.index_cast %add3A_408 : i32 to index
      %get3A_471 = arith.constant 112 : index
      %get3A_472 = tpu.vector_load %arg8[%get3A_470, %get3A_471] {strides = array<i32>} : memref<256x128xf32, #tpu.memory_space<vmem>>, vector<1x16xf32>,
      %get3A_473 = vector.shape_cast %get3A_472 : vector<1x16xf32> to vector<16xf32>
      %swap3A_474 = arith.index_cast %add3A_408 : i32 to index
      %swap3A_475 = arith.constant 112 : index
      %swap3A_476 = tpu.vector_load %arg7[%swap3A_474, %swap3A_475] {strides = array<i32>} : memref<256x128xf32, #tpu.memory_space<vmem>>, vector<1x16xf32>,
      %swap3A_477 = vector.shape_cast %swap3A_476 : vector<1x16xf32> to vector<16xf32>
      %swap3A_478 = vector.shape_cast %get3A_473 : vector<16xf32> to vector<1x16xf32>
      tpu.vector_store %arg7[%swap3A_474, %swap3A_475], %swap3A_478 {add = true, strides = array<i32>} : memref<256x128xf32, #tpu.memory_space<vmem>>, vector<1x16xf32>,
      %scan3A_479 = arith.constant 0 : i32
      scf.yield %scan3A_479 : i32
    }
    %scan3A_213 = arith.constant 64 : i32
    %add3A_214 = arith.constant 0 : i32
    %add3A_215 = arith.addi %mul3A_32, %add3A_214 : i32
    %dma_start3A_216 = arith.constant 0 : i32
    %dma_start3A_217 = arith.constant 0 : i32
    %dma_start3A_218 = tpu.memref_slice %arg7[%dma_start3A_216, %dma_start3A_217] : memref<256x128xf32, #tpu.memory_space<vmem>> -> memref<64x128xf32, #tpu.memory_space<vmem>>
    %dma_start3A_219 = arith.constant 0 : i32
    %dma_start3A_220 = tpu.memref_slice %arg5[%select_n3A, %add3A_215, %dma_start3A_219] : memref<4x2048x128xf32, #tpu.memory_space<hbm>> -> memref<1x64x128xf32, #tpu.memory_space<hbm>>
    %dma_start3A_221 = tpu.memref_squeeze %dma_start3A_220 : memref<1x64x128xf32, #tpu.memory_space<hbm>> -> memref<64x128xf32, #tpu.memory_space<hbm>>
    %dma_start3A_222 = arith.constant 0 : i32
    %dma_start3A_223 = tpu.memref_slice %arg5[%select_n3A, %add3A_215, %dma_start3A_222] : memref<4x2048x128xf32, #tpu.memory_space<hbm>> -> memref<1x64x128xf32, #tpu.memory_space<hbm>>
    %dma_start3A_224 = tpu.memref_squeeze %dma_start3A_223 : memref<1x64x128xf32, #tpu.memory_space<hbm>> -> memref<64x128xf32, #tpu.memory_space<hbm>>
    %dma_start3A_225 = arith.constant 0 : i32
    %dma_start3A_226 = arith.constant 0 : i32
    %dma_start3A_227 = tpu.memref_slice %arg7[%dma_start3A_225, %dma_start3A_226] : memref<256x128xf32, #tpu.memory_space<vmem>> -> memref<64x128xf32, #tpu.memory_space<vmem>>
    tpu.enqueue_dma source(%dma_start3A_227 : memref<64x128xf32, #tpu.memory_space<vmem>>) target(%dma_start3A_224 : memref<64x128xf32, #tpu.memory_space<hbm>>) target_semaphore(%arg11 : memref<!tpu.dma_semaphore, #tpu.memory_space<semaphore_mem>>)
    %dma_wait3A_228 = arith.constant 64 : i32
    %dma_wait3A_229 = arith.constant 0 : i32
    %dma_wait3A_230 = tpu.memref_slice %arg7[%dma_wait3A_228, %dma_wait3A_229] : memref<256x128xf32, #tpu.memory_space<vmem>> -> memref<64x128xf32, #tpu.memory_space<vmem>>
    %dma_wait3A_231 = arith.constant 64 : i32
    %dma_wait3A_232 = tpu.memref_slice %arg6[%dma_wait3A_231] : memref<256xi32, #tpu.memory_space<vmem>> -> memref<64xi32, #tpu.memory_space<vmem>>
    %dma_wait3A_233 = arith.constant 0 : i32
    %dma_wait3A_234 = arith.constant 0 : i32
    %dma_wait3A_235 = tpu.memref_slice %arg3[%dma_wait3A_233, %dma_wait3A_234] : memref<100000x128xf32, #tpu.memory_space<hbm>> -> memref<100000x128xf32, #tpu.memory_space<hbm>>
    tpu.wait_indirect_dma semaphore(%arg10 : memref<!tpu.dma_semaphore, #tpu.memory_space<semaphore_mem>>) src(%dma_wait3A_235 : memref<100000x128xf32, #tpu.memory_space<hbm>>) dst(%dma_wait3A_230 : memref<64x128xf32, #tpu.memory_space<vmem>>)
    %dma_wait3A_236 = arith.constant 64 : i32
    %dma_wait3A_237 = arith.constant 0 : i32
    %dma_wait3A_238 = tpu.memref_slice %arg8[%dma_wait3A_236, %dma_wait3A_237] : memref<256x128xf32, #tpu.memory_space<vmem>> -> memref<64x128xf32, #tpu.memory_space<vmem>>
    %dma_wait3A_239 = arith.constant 64 : i32
    %dma_wait3A_240 = arith.constant 0 : i32
    %dma_wait3A_241 = tpu.memref_slice %arg9[%select_n3A_112, %dma_wait3A_239, %dma_wait3A_240] : memref<4x256x128xf32, #tpu.memory_space<vmem_shared>> -> memref<1x64x128xf32, #tpu.memory_space<vmem_shared>>
    %dma_wait3A_242 = tpu.memref_squeeze %dma_wait3A_241 : memref<1x64x128xf32, #tpu.memory_space<vmem_shared>> -> memref<64x128xf32, #tpu.memory_space<vmem_shared>>
    %dma_wait3A_243 = arith.constant 64 : i32
    %dma_wait3A_244 = arith.constant 0 : i32
    %dma_wait3A_245 = tpu.memref_slice %arg8[%dma_wait3A_243, %dma_wait3A_244] : memref<256x128xf32, #tpu.memory_space<vmem>> -> memref<64x128xf32, #tpu.memory_space<vmem>>
    %dma_wait3A_246 = arith.constant 64 : i32
    %dma_wait3A_247 = arith.constant 0 : i32
    %dma_wait3A_248 = tpu.memref_slice %arg9[%select_n3A_112, %dma_wait3A_246, %dma_wait3A_247] : memref<4x256x128xf32, #tpu.memory_space<vmem_shared>> -> memref<1x64x128xf32, #tpu.memory_space<vmem_shared>>
    %dma_wait3A_249 = tpu.memref_squeeze %dma_wait3A_248 : memref<1x64x128xf32, #tpu.memory_space<vmem_shared>> -> memref<64x128xf32, #tpu.memory_space<vmem_shared>>
    tpu.wait_dma2 semaphore(%arg13 : memref<!tpu.dma_semaphore, #tpu.memory_space<semaphore_mem>>) src(%dma_wait3A_249 : memref<64x128xf32, #tpu.memory_space<vmem_shared>>) dst(%dma_wait3A_245 : memref<64x128xf32, #tpu.memory_space<vmem>>)
    %scan3A_250 = arith.constant 0 : i32
    %scan3A_251 = arith.constant 0 : i32
    %scan3A_252 = arith.constant 64 : i32
    %scan3A_253 = arith.addi %scan3A_251, %scan3A_252 : i32
    %scan3A_254 = arith.constant 1 : i32
    %scan3A_255 = scf.for %scan3A_405 = %scan3A_251 to %scan3A_253 step %scan3A_254 iter_args(%scan3A_406 = %scan3A_250) -> (i32)  : i32 {
      %add3A_407 = arith.constant 64 : i32
      %add3A_408 = arith.addi %add3A_407, %scan3A_405 : i32
      %get3A = arith.index_cast %add3A_408 : i32 to index
      %get3A_409 = arith.constant 0 : index
      %get3A_410 = tpu.vector_load %arg8[%get3A, %get3A_409] {strides = array<i32>} : memref<256x128xf32, #tpu.memory_space<vmem>>, vector<1x16xf32>,
      %get3A_411 = vector.shape_cast %get3A_410 : vector<1x16xf32> to vector<16xf32>
      %swap3A = arith.index_cast %add3A_408 : i32 to index
      %swap3A_412 = arith.constant 0 : index
      %swap3A_413 = tpu.vector_load %arg7[%swap3A, %swap3A_412] {strides = array<i32>} : memref<256x128xf32, #tpu.memory_space<vmem>>, vector<1x16xf32>,
      %swap3A_414 = vector.shape_cast %swap3A_413 : vector<1x16xf32> to vector<16xf32>
      %swap3A_415 = vector.shape_cast %get3A_411 : vector<16xf32> to vector<1x16xf32>
      tpu.vector_store %arg7[%swap3A, %swap3A_412], %swap3A_415 {add = true, strides = array<i32>} : memref<256x128xf32, #tpu.memory_space<vmem>>, vector<1x16xf32>,
      %get3A_416 = arith.index_cast %add3A_408 : i32 to index
      %get3A_417 = arith.constant 16 : index
      %get3A_418 = tpu.vector_load %arg8[%get3A_416, %get3A_417] {strides = array<i32>} : memref<256x128xf32, #tpu.memory_space<vmem>>, vector<1x16xf32>,
      %get3A_419 = vector.shape_cast %get3A_418 : vector<1x16xf32> to vector<16xf32>
      %swap3A_420 = arith.index_cast %add3A_408 : i32 to index
      %swap3A_421 = arith.constant 16 : index
      %swap3A_422 = tpu.vector_load %arg7[%swap3A_420, %swap3A_421] {strides = array<i32>} : memref<256x128xf32, #tpu.memory_space<vmem>>, vector<1x16xf32>,
      %swap3A_423 = vector.shape_cast %swap3A_422 : vector<1x16xf32> to vector<16xf32>
      %swap3A_424 = vector.shape_cast %get3A_419 : vector<16xf32> to vector<1x16xf32>
      tpu.vector_store %arg7[%swap3A_420, %swap3A_421], %swap3A_424 {add = true, strides = array<i32>} : memref<256x128xf32, #tpu.memory_space<vmem>>, vector<1x16xf32>,
      %get3A_425 = arith.index_cast %add3A_408 : i32 to index
      %get3A_426 = arith.constant 32 : index
      %get3A_427 = tpu.vector_load %arg8[%get3A_425, %get3A_426] {strides = array<i32>} : memref<256x128xf32, #tpu.memory_space<vmem>>, vector<1x16xf32>,
      %get3A_428 = vector.shape_cast %get3A_427 : vector<1x16xf32> to vector<16xf32>
      %swap3A_429 = arith.index_cast %add3A_408 : i32 to index
      %swap3A_430 = arith.constant 32 : index
      %swap3A_431 = tpu.vector_load %arg7[%swap3A_429, %swap3A_430] {strides = array<i32>} : memref<256x128xf32, #tpu.memory_space<vmem>>, vector<1x16xf32>,
      %swap3A_432 = vector.shape_cast %swap3A_431 : vector<1x16xf32> to vector<16xf32>
      %swap3A_433 = vector.shape_cast %get3A_428 : vector<16xf32> to vector<1x16xf32>
      tpu.vector_store %arg7[%swap3A_429, %swap3A_430], %swap3A_433 {add = true, strides = array<i32>} : memref<256x128xf32, #tpu.memory_space<vmem>>, vector<1x16xf32>,
      %get3A_434 = arith.index_cast %add3A_408 : i32 to index
      %get3A_435 = arith.constant 48 : index
      %get3A_436 = tpu.vector_load %arg8[%get3A_434, %get3A_435] {strides = array<i32>} : memref<256x128xf32, #tpu.memory_space<vmem>>, vector<1x16xf32>,
      %get3A_437 = vector.shape_cast %get3A_436 : vector<1x16xf32> to vector<16xf32>
      %swap3A_438 = arith.index_cast %add3A_408 : i32 to index
      %swap3A_439 = arith.constant 48 : index
      %swap3A_440 = tpu.vector_load %arg7[%swap3A_438, %swap3A_439] {strides = array<i32>} : memref<256x128xf32, #tpu.memory_space<vmem>>, vector<1x16xf32>,
      %swap3A_441 = vector.shape_cast %swap3A_440 : vector<1x16xf32> to vector<16xf32>
      %swap3A_442 = vector.shape_cast %get3A_437 : vector<16xf32> to vector<1x16xf32>
      tpu.vector_store %arg7[%swap3A_438, %swap3A_439], %swap3A_442 {add = true, strides = array<i32>} : memref<256x128xf32, #tpu.memory_space<vmem>>, vector<1x16xf32>,
      %get3A_443 = arith.index_cast %add3A_408 : i32 to index
      %get3A_444 = arith.constant 64 : index
      %get3A_445 = tpu.vector_load %arg8[%get3A_443, %get3A_444] {strides = array<i32>} : memref<256x128xf32, #tpu.memory_space<vmem>>, vector<1x16xf32>,
      %get3A_446 = vector.shape_cast %get3A_445 : vector<1x16xf32> to vector<16xf32>
      %swap3A_447 = arith.index_cast %add3A_408 : i32 to index
      %swap3A_448 = arith.constant 64 : index
      %swap3A_449 = tpu.vector_load %arg7[%swap3A_447, %swap3A_448] {strides = array<i32>} : memref<256x128xf32, #tpu.memory_space<vmem>>, vector<1x16xf32>,
      %swap3A_450 = vector.shape_cast %swap3A_449 : vector<1x16xf32> to vector<16xf32>
      %swap3A_451 = vector.shape_cast %get3A_446 : vector<16xf32> to vector<1x16xf32>
      tpu.vector_store %arg7[%swap3A_447, %swap3A_448], %swap3A_451 {add = true, strides = array<i32>} : memref<256x128xf32, #tpu.memory_space<vmem>>, vector<1x16xf32>,
      %get3A_452 = arith.index_cast %add3A_408 : i32 to index
      %get3A_453 = arith.constant 80 : index
      %get3A_454 = tpu.vector_load %arg8[%get3A_452, %get3A_453] {strides = array<i32>} : memref<256x128xf32, #tpu.memory_space<vmem>>, vector<1x16xf32>,
      %get3A_455 = vector.shape_cast %get3A_454 : vector<1x16xf32> to vector<16xf32>
      %swap3A_456 = arith.index_cast %add3A_408 : i32 to index
      %swap3A_457 = arith.constant 80 : index
      %swap3A_458 = tpu.vector_load %arg7[%swap3A_456, %swap3A_457] {strides = array<i32>} : memref<256x128xf32, #tpu.memory_space<vmem>>, vector<1x16xf32>,
      %swap3A_459 = vector.shape_cast %swap3A_458 : vector<1x16xf32> to vector<16xf32>
      %swap3A_460 = vector.shape_cast %get3A_455 : vector<16xf32> to vector<1x16xf32>
      tpu.vector_store %arg7[%swap3A_456, %swap3A_457], %swap3A_460 {add = true, strides = array<i32>} : memref<256x128xf32, #tpu.memory_space<vmem>>, vector<1x16xf32>,
      %get3A_461 = arith.index_cast %add3A_408 : i32 to index
      %get3A_462 = arith.constant 96 : index
      %get3A_463 = tpu.vector_load %arg8[%get3A_461, %get3A_462] {strides = array<i32>} : memref<256x128xf32, #tpu.memory_space<vmem>>, vector<1x16xf32>,
      %get3A_464 = vector.shape_cast %get3A_463 : vector<1x16xf32> to vector<16xf32>
      %swap3A_465 = arith.index_cast %add3A_408 : i32 to index
      %swap3A_466 = arith.constant 96 : index
      %swap3A_467 = tpu.vector_load %arg7[%swap3A_465, %swap3A_466] {strides = array<i32>} : memref<256x128xf32, #tpu.memory_space<vmem>>, vector<1x16xf32>,
      %swap3A_468 = vector.shape_cast %swap3A_467 : vector<1x16xf32> to vector<16xf32>
      %swap3A_469 = vector.shape_cast %get3A_464 : vector<16xf32> to vector<1x16xf32>
      tpu.vector_store %arg7[%swap3A_465, %swap3A_466], %swap3A_469 {add = true, strides = array<i32>} : memref<256x128xf32, #tpu.memory_space<vmem>>, vector<1x16xf32>,
      %get3A_470 = arith.index_cast %add3A_408 : i32 to index
      %get3A_471 = arith.constant 112 : index
      %get3A_472 = tpu.vector_load %arg8[%get3A_470, %get3A_471] {strides = array<i32>} : memref<256x128xf32, #tpu.memory_space<vmem>>, vector<1x16xf32>,
      %get3A_473 = vector.shape_cast %get3A_472 : vector<1x16xf32> to vector<16xf32>
      %swap3A_474 = arith.index_cast %add3A_408 : i32 to index
      %swap3A_475 = arith.constant 112 : index
      %swap3A_476 = tpu.vector_load %arg7[%swap3A_474, %swap3A_475] {strides = array<i32>} : memref<256x128xf32, #tpu.memory_space<vmem>>, vector<1x16xf32>,
      %swap3A_477 = vector.shape_cast %swap3A_476 : vector<1x16xf32> to vector<16xf32>
      %swap3A_478 = vector.shape_cast %get3A_473 : vector<16xf32> to vector<1x16xf32>
      tpu.vector_store %arg7[%swap3A_474, %swap3A_475], %swap3A_478 {add = true, strides = array<i32>} : memref<256x128xf32, #tpu.memory_space<vmem>>, vector<1x16xf32>,
      %scan3A_479 = arith.constant 0 : i32
      scf.yield %scan3A_479 : i32
    }
    %scan3A_256 = arith.constant 64 : i32
    %add3A_257 = arith.constant 64 : i32
    %add3A_258 = arith.addi %mul3A_32, %add3A_257 : i32
    %dma_start3A_259 = arith.constant 64 : i32
    %dma_start3A_260 = arith.constant 0 : i32
    %dma_start3A_261 = tpu.memref_slice %arg7[%dma_start3A_259, %dma_start3A_260] : memref<256x128xf32, #tpu.memory_space<vmem>> -> memref<64x128xf32, #tpu.memory_space<vmem>>
    %dma_start3A_262 = arith.constant 0 : i32
    %dma_start3A_263 = tpu.memref_slice %arg5[%select_n3A, %add3A_258, %dma_start3A_262] : memref<4x2048x128xf32, #tpu.memory_space<hbm>> -> memref<1x64x128xf32, #tpu.memory_space<hbm>>
    %dma_start3A_264 = tpu.memref_squeeze %dma_start3A_263 : memref<1x64x128xf32, #tpu.memory_space<hbm>> -> memref<64x128xf32, #tpu.memory_space<hbm>>
    %dma_start3A_265 = arith.constant 0 : i32
    %dma_start3A_266 = tpu.memref_slice %arg5[%select_n3A, %add3A_258, %dma_start3A_265] : memref<4x2048x128xf32, #tpu.memory_space<hbm>> -> memref<1x64x128xf32, #tpu.memory_space<hbm>>
    %dma_start3A_267 = tpu.memref_squeeze %dma_start3A_266 : memref<1x64x128xf32, #tpu.memory_space<hbm>> -> memref<64x128xf32, #tpu.memory_space<hbm>>
    %dma_start3A_268 = arith.constant 64 : i32
    %dma_start3A_269 = arith.constant 0 : i32
    %dma_start3A_270 = tpu.memref_slice %arg7[%dma_start3A_268, %dma_start3A_269] : memref<256x128xf32, #tpu.memory_space<vmem>> -> memref<64x128xf32, #tpu.memory_space<vmem>>
    tpu.enqueue_dma source(%dma_start3A_270 : memref<64x128xf32, #tpu.memory_space<vmem>>) target(%dma_start3A_267 : memref<64x128xf32, #tpu.memory_space<hbm>>) target_semaphore(%arg11 : memref<!tpu.dma_semaphore, #tpu.memory_space<semaphore_mem>>)
    %dma_wait3A_271 = arith.constant 128 : i32
    %dma_wait3A_272 = arith.constant 0 : i32
    %dma_wait3A_273 = tpu.memref_slice %arg7[%dma_wait3A_271, %dma_wait3A_272] : memref<256x128xf32, #tpu.memory_space<vmem>> -> memref<64x128xf32, #tpu.memory_space<vmem>>
    %dma_wait3A_274 = arith.constant 128 : i32
    %dma_wait3A_275 = tpu.memref_slice %arg6[%dma_wait3A_274] : memref<256xi32, #tpu.memory_space<vmem>> -> memref<64xi32, #tpu.memory_space<vmem>>
    %dma_wait3A_276 = arith.constant 0 : i32
    %dma_wait3A_277 = arith.constant 0 : i32
    %dma_wait3A_278 = tpu.memref_slice %arg3[%dma_wait3A_276, %dma_wait3A_277] : memref<100000x128xf32, #tpu.memory_space<hbm>> -> memref<100000x128xf32, #tpu.memory_space<hbm>>
    tpu.wait_indirect_dma semaphore(%arg10 : memref<!tpu.dma_semaphore, #tpu.memory_space<semaphore_mem>>) src(%dma_wait3A_278 : memref<100000x128xf32, #tpu.memory_space<hbm>>) dst(%dma_wait3A_273 : memref<64x128xf32, #tpu.memory_space<vmem>>)
    %dma_wait3A_279 = arith.constant 128 : i32
    %dma_wait3A_280 = arith.constant 0 : i32
    %dma_wait3A_281 = tpu.memref_slice %arg8[%dma_wait3A_279, %dma_wait3A_280] : memref<256x128xf32, #tpu.memory_space<vmem>> -> memref<64x128xf32, #tpu.memory_space<vmem>>
    %dma_wait3A_282 = arith.constant 128 : i32
    %dma_wait3A_283 = arith.constant 0 : i32
    %dma_wait3A_284 = tpu.memref_slice %arg9[%select_n3A_142, %dma_wait3A_282, %dma_wait3A_283] : memref<4x256x128xf32, #tpu.memory_space<vmem_shared>> -> memref<1x64x128xf32, #tpu.memory_space<vmem_shared>>
    %dma_wait3A_285 = tpu.memref_squeeze %dma_wait3A_284 : memref<1x64x128xf32, #tpu.memory_space<vmem_shared>> -> memref<64x128xf32, #tpu.memory_space<vmem_shared>>
    %dma_wait3A_286 = arith.constant 128 : i32
    %dma_wait3A_287 = arith.constant 0 : i32
    %dma_wait3A_288 = tpu.memref_slice %arg8[%dma_wait3A_286, %dma_wait3A_287] : memref<256x128xf32, #tpu.memory_space<vmem>> -> memref<64x128xf32, #tpu.memory_space<vmem>>
    %dma_wait3A_289 = arith.constant 128 : i32
    %dma_wait3A_290 = arith.constant 0 : i32
    %dma_wait3A_291 = tpu.memref_slice %arg9[%select_n3A_142, %dma_wait3A_289, %dma_wait3A_290] : memref<4x256x128xf32, #tpu.memory_space<vmem_shared>> -> memref<1x64x128xf32, #tpu.memory_space<vmem_shared>>
    %dma_wait3A_292 = tpu.memref_squeeze %dma_wait3A_291 : memref<1x64x128xf32, #tpu.memory_space<vmem_shared>> -> memref<64x128xf32, #tpu.memory_space<vmem_shared>>
    tpu.wait_dma2 semaphore(%arg13 : memref<!tpu.dma_semaphore, #tpu.memory_space<semaphore_mem>>) src(%dma_wait3A_292 : memref<64x128xf32, #tpu.memory_space<vmem_shared>>) dst(%dma_wait3A_288 : memref<64x128xf32, #tpu.memory_space<vmem>>)
    %scan3A_293 = arith.constant 0 : i32
    %scan3A_294 = arith.constant 0 : i32
    %scan3A_295 = arith.constant 64 : i32
    %scan3A_296 = arith.addi %scan3A_294, %scan3A_295 : i32
    %scan3A_297 = arith.constant 1 : i32
    %scan3A_298 = scf.for %scan3A_405 = %scan3A_294 to %scan3A_296 step %scan3A_297 iter_args(%scan3A_406 = %scan3A_293) -> (i32)  : i32 {
      %add3A_407 = arith.constant 128 : i32
      %add3A_408 = arith.addi %add3A_407, %scan3A_405 : i32
      %get3A = arith.index_cast %add3A_408 : i32 to index
      %get3A_409 = arith.constant 0 : index
      %get3A_410 = tpu.vector_load %arg8[%get3A, %get3A_409] {strides = array<i32>} : memref<256x128xf32, #tpu.memory_space<vmem>>, vector<1x16xf32>,
      %get3A_411 = vector.shape_cast %get3A_410 : vector<1x16xf32> to vector<16xf32>
      %swap3A = arith.index_cast %add3A_408 : i32 to index
      %swap3A_412 = arith.constant 0 : index
      %swap3A_413 = tpu.vector_load %arg7[%swap3A, %swap3A_412] {strides = array<i32>} : memref<256x128xf32, #tpu.memory_space<vmem>>, vector<1x16xf32>,
      %swap3A_414 = vector.shape_cast %swap3A_413 : vector<1x16xf32> to vector<16xf32>
      %swap3A_415 = vector.shape_cast %get3A_411 : vector<16xf32> to vector<1x16xf32>
      tpu.vector_store %arg7[%swap3A, %swap3A_412], %swap3A_415 {add = true, strides = array<i32>} : memref<256x128xf32, #tpu.memory_space<vmem>>, vector<1x16xf32>,
      %get3A_416 = arith.index_cast %add3A_408 : i32 to index
      %get3A_417 = arith.constant 16 : index
      %get3A_418 = tpu.vector_load %arg8[%get3A_416, %get3A_417] {strides = array<i32>} : memref<256x128xf32, #tpu.memory_space<vmem>>, vector<1x16xf32>,
      %get3A_419 = vector.shape_cast %get3A_418 : vector<1x16xf32> to vector<16xf32>
      %swap3A_420 = arith.index_cast %add3A_408 : i32 to index
      %swap3A_421 = arith.constant 16 : index
      %swap3A_422 = tpu.vector_load %arg7[%swap3A_420, %swap3A_421] {strides = array<i32>} : memref<256x128xf32, #tpu.memory_space<vmem>>, vector<1x16xf32>,
      %swap3A_423 = vector.shape_cast %swap3A_422 : vector<1x16xf32> to vector<16xf32>
      %swap3A_424 = vector.shape_cast %get3A_419 : vector<16xf32> to vector<1x16xf32>
      tpu.vector_store %arg7[%swap3A_420, %swap3A_421], %swap3A_424 {add = true, strides = array<i32>} : memref<256x128xf32, #tpu.memory_space<vmem>>, vector<1x16xf32>,
      %get3A_425 = arith.index_cast %add3A_408 : i32 to index
      %get3A_426 = arith.constant 32 : index
      %get3A_427 = tpu.vector_load %arg8[%get3A_425, %get3A_426] {strides = array<i32>} : memref<256x128xf32, #tpu.memory_space<vmem>>, vector<1x16xf32>,
      %get3A_428 = vector.shape_cast %get3A_427 : vector<1x16xf32> to vector<16xf32>
      %swap3A_429 = arith.index_cast %add3A_408 : i32 to index
      %swap3A_430 = arith.constant 32 : index
      %swap3A_431 = tpu.vector_load %arg7[%swap3A_429, %swap3A_430] {strides = array<i32>} : memref<256x128xf32, #tpu.memory_space<vmem>>, vector<1x16xf32>,
      %swap3A_432 = vector.shape_cast %swap3A_431 : vector<1x16xf32> to vector<16xf32>
      %swap3A_433 = vector.shape_cast %get3A_428 : vector<16xf32> to vector<1x16xf32>
      tpu.vector_store %arg7[%swap3A_429, %swap3A_430], %swap3A_433 {add = true, strides = array<i32>} : memref<256x128xf32, #tpu.memory_space<vmem>>, vector<1x16xf32>,
      %get3A_434 = arith.index_cast %add3A_408 : i32 to index
      %get3A_435 = arith.constant 48 : index
      %get3A_436 = tpu.vector_load %arg8[%get3A_434, %get3A_435] {strides = array<i32>} : memref<256x128xf32, #tpu.memory_space<vmem>>, vector<1x16xf32>,
      %get3A_437 = vector.shape_cast %get3A_436 : vector<1x16xf32> to vector<16xf32>
      %swap3A_438 = arith.index_cast %add3A_408 : i32 to index
      %swap3A_439 = arith.constant 48 : index
      %swap3A_440 = tpu.vector_load %arg7[%swap3A_438, %swap3A_439] {strides = array<i32>} : memref<256x128xf32, #tpu.memory_space<vmem>>, vector<1x16xf32>,
      %swap3A_441 = vector.shape_cast %swap3A_440 : vector<1x16xf32> to vector<16xf32>
      %swap3A_442 = vector.shape_cast %get3A_437 : vector<16xf32> to vector<1x16xf32>
      tpu.vector_store %arg7[%swap3A_438, %swap3A_439], %swap3A_442 {add = true, strides = array<i32>} : memref<256x128xf32, #tpu.memory_space<vmem>>, vector<1x16xf32>,
      %get3A_443 = arith.index_cast %add3A_408 : i32 to index
      %get3A_444 = arith.constant 64 : index
      %get3A_445 = tpu.vector_load %arg8[%get3A_443, %get3A_444] {strides = array<i32>} : memref<256x128xf32, #tpu.memory_space<vmem>>, vector<1x16xf32>,
      %get3A_446 = vector.shape_cast %get3A_445 : vector<1x16xf32> to vector<16xf32>
      %swap3A_447 = arith.index_cast %add3A_408 : i32 to index
      %swap3A_448 = arith.constant 64 : index
      %swap3A_449 = tpu.vector_load %arg7[%swap3A_447, %swap3A_448] {strides = array<i32>} : memref<256x128xf32, #tpu.memory_space<vmem>>, vector<1x16xf32>,
      %swap3A_450 = vector.shape_cast %swap3A_449 : vector<1x16xf32> to vector<16xf32>
      %swap3A_451 = vector.shape_cast %get3A_446 : vector<16xf32> to vector<1x16xf32>
      tpu.vector_store %arg7[%swap3A_447, %swap3A_448], %swap3A_451 {add = true, strides = array<i32>} : memref<256x128xf32, #tpu.memory_space<vmem>>, vector<1x16xf32>,
      %get3A_452 = arith.index_cast %add3A_408 : i32 to index
      %get3A_453 = arith.constant 80 : index
      %get3A_454 = tpu.vector_load %arg8[%get3A_452, %get3A_453] {strides = array<i32>} : memref<256x128xf32, #tpu.memory_space<vmem>>, vector<1x16xf32>,
      %get3A_455 = vector.shape_cast %get3A_454 : vector<1x16xf32> to vector<16xf32>
      %swap3A_456 = arith.index_cast %add3A_408 : i32 to index
      %swap3A_457 = arith.constant 80 : index
      %swap3A_458 = tpu.vector_load %arg7[%swap3A_456, %swap3A_457] {strides = array<i32>} : memref<256x128xf32, #tpu.memory_space<vmem>>, vector<1x16xf32>,
      %swap3A_459 = vector.shape_cast %swap3A_458 : vector<1x16xf32> to vector<16xf32>
      %swap3A_460 = vector.shape_cast %get3A_455 : vector<16xf32> to vector<1x16xf32>
      tpu.vector_store %arg7[%swap3A_456, %swap3A_457], %swap3A_460 {add = true, strides = array<i32>} : memref<256x128xf32, #tpu.memory_space<vmem>>, vector<1x16xf32>,
      %get3A_461 = arith.index_cast %add3A_408 : i32 to index
      %get3A_462 = arith.constant 96 : index
      %get3A_463 = tpu.vector_load %arg8[%get3A_461, %get3A_462] {strides = array<i32>} : memref<256x128xf32, #tpu.memory_space<vmem>>, vector<1x16xf32>,
      %get3A_464 = vector.shape_cast %get3A_463 : vector<1x16xf32> to vector<16xf32>
      %swap3A_465 = arith.index_cast %add3A_408 : i32 to index
      %swap3A_466 = arith.constant 96 : index
      %swap3A_467 = tpu.vector_load %arg7[%swap3A_465, %swap3A_466] {strides = array<i32>} : memref<256x128xf32, #tpu.memory_space<vmem>>, vector<1x16xf32>,
      %swap3A_468 = vector.shape_cast %swap3A_467 : vector<1x16xf32> to vector<16xf32>
      %swap3A_469 = vector.shape_cast %get3A_464 : vector<16xf32> to vector<1x16xf32>
      tpu.vector_store %arg7[%swap3A_465, %swap3A_466], %swap3A_469 {add = true, strides = array<i32>} : memref<256x128xf32, #tpu.memory_space<vmem>>, vector<1x16xf32>,
      %get3A_470 = arith.index_cast %add3A_408 : i32 to index
      %get3A_471 = arith.constant 112 : index
      %get3A_472 = tpu.vector_load %arg8[%get3A_470, %get3A_471] {strides = array<i32>} : memref<256x128xf32, #tpu.memory_space<vmem>>, vector<1x16xf32>,
      %get3A_473 = vector.shape_cast %get3A_472 : vector<1x16xf32> to vector<16xf32>
      %swap3A_474 = arith.index_cast %add3A_408 : i32 to index
      %swap3A_475 = arith.constant 112 : index
      %swap3A_476 = tpu.vector_load %arg7[%swap3A_474, %swap3A_475] {strides = array<i32>} : memref<256x128xf32, #tpu.memory_space<vmem>>, vector<1x16xf32>,
      %swap3A_477 = vector.shape_cast %swap3A_476 : vector<1x16xf32> to vector<16xf32>
      %swap3A_478 = vector.shape_cast %get3A_473 : vector<16xf32> to vector<1x16xf32>
      tpu.vector_store %arg7[%swap3A_474, %swap3A_475], %swap3A_478 {add = true, strides = array<i32>} : memref<256x128xf32, #tpu.memory_space<vmem>>, vector<1x16xf32>,
      %scan3A_479 = arith.constant 0 : i32
      scf.yield %scan3A_479 : i32
    }
    %scan3A_299 = arith.constant 64 : i32
    %add3A_300 = arith.constant 128 : i32
    %add3A_301 = arith.addi %mul3A_32, %add3A_300 : i32
    %dma_start3A_302 = arith.constant 128 : i32
    %dma_start3A_303 = arith.constant 0 : i32
    %dma_start3A_304 = tpu.memref_slice %arg7[%dma_start3A_302, %dma_start3A_303] : memref<256x128xf32, #tpu.memory_space<vmem>> -> memref<64x128xf32, #tpu.memory_space<vmem>>
    %dma_start3A_305 = arith.constant 0 : i32
    %dma_start3A_306 = tpu.memref_slice %arg5[%select_n3A, %add3A_301, %dma_start3A_305] : memref<4x2048x128xf32, #tpu.memory_space<hbm>> -> memref<1x64x128xf32, #tpu.memory_space<hbm>>
    %dma_start3A_307 = tpu.memref_squeeze %dma_start3A_306 : memref<1x64x128xf32, #tpu.memory_space<hbm>> -> memref<64x128xf32, #tpu.memory_space<hbm>>
    %dma_start3A_308 = arith.constant 0 : i32
    %dma_start3A_309 = tpu.memref_slice %arg5[%select_n3A, %add3A_301, %dma_start3A_308] : memref<4x2048x128xf32, #tpu.memory_space<hbm>> -> memref<1x64x128xf32, #tpu.memory_space<hbm>>
    %dma_start3A_310 = tpu.memref_squeeze %dma_start3A_309 : memref<1x64x128xf32, #tpu.memory_space<hbm>> -> memref<64x128xf32, #tpu.memory_space<hbm>>
    %dma_start3A_311 = arith.constant 128 : i32
    %dma_start3A_312 = arith.constant 0 : i32
    %dma_start3A_313 = tpu.memref_slice %arg7[%dma_start3A_311, %dma_start3A_312] : memref<256x128xf32, #tpu.memory_space<vmem>> -> memref<64x128xf32, #tpu.memory_space<vmem>>
    tpu.enqueue_dma source(%dma_start3A_313 : memref<64x128xf32, #tpu.memory_space<vmem>>) target(%dma_start3A_310 : memref<64x128xf32, #tpu.memory_space<hbm>>) target_semaphore(%arg11 : memref<!tpu.dma_semaphore, #tpu.memory_space<semaphore_mem>>)
    %dma_wait3A_314 = arith.constant 192 : i32
    %dma_wait3A_315 = arith.constant 0 : i32
    %dma_wait3A_316 = tpu.memref_slice %arg7[%dma_wait3A_314, %dma_wait3A_315] : memref<256x128xf32, #tpu.memory_space<vmem>> -> memref<64x128xf32, #tpu.memory_space<vmem>>
    %dma_wait3A_317 = arith.constant 192 : i32
    %dma_wait3A_318 = tpu.memref_slice %arg6[%dma_wait3A_317] : memref<256xi32, #tpu.memory_space<vmem>> -> memref<64xi32, #tpu.memory_space<vmem>>
    %dma_wait3A_319 = arith.constant 0 : i32
    %dma_wait3A_320 = arith.constant 0 : i32
    %dma_wait3A_321 = tpu.memref_slice %arg3[%dma_wait3A_319, %dma_wait3A_320] : memref<100000x128xf32, #tpu.memory_space<hbm>> -> memref<100000x128xf32, #tpu.memory_space<hbm>>
    tpu.wait_indirect_dma semaphore(%arg10 : memref<!tpu.dma_semaphore, #tpu.memory_space<semaphore_mem>>) src(%dma_wait3A_321 : memref<100000x128xf32, #tpu.memory_space<hbm>>) dst(%dma_wait3A_316 : memref<64x128xf32, #tpu.memory_space<vmem>>)
    %dma_wait3A_322 = arith.constant 192 : i32
    %dma_wait3A_323 = arith.constant 0 : i32
    %dma_wait3A_324 = tpu.memref_slice %arg8[%dma_wait3A_322, %dma_wait3A_323] : memref<256x128xf32, #tpu.memory_space<vmem>> -> memref<64x128xf32, #tpu.memory_space<vmem>>
    %dma_wait3A_325 = arith.constant 192 : i32
    %dma_wait3A_326 = arith.constant 0 : i32
    %dma_wait3A_327 = tpu.memref_slice %arg9[%select_n3A_172, %dma_wait3A_325, %dma_wait3A_326] : memref<4x256x128xf32, #tpu.memory_space<vmem_shared>> -> memref<1x64x128xf32, #tpu.memory_space<vmem_shared>>
    %dma_wait3A_328 = tpu.memref_squeeze %dma_wait3A_327 : memref<1x64x128xf32, #tpu.memory_space<vmem_shared>> -> memref<64x128xf32, #tpu.memory_space<vmem_shared>>
    %dma_wait3A_329 = arith.constant 192 : i32
    %dma_wait3A_330 = arith.constant 0 : i32
    %dma_wait3A_331 = tpu.memref_slice %arg8[%dma_wait3A_329, %dma_wait3A_330] : memref<256x128xf32, #tpu.memory_space<vmem>> -> memref<64x128xf32, #tpu.memory_space<vmem>>
    %dma_wait3A_332 = arith.constant 192 : i32
    %dma_wait3A_333 = arith.constant 0 : i32
    %dma_wait3A_334 = tpu.memref_slice %arg9[%select_n3A_172, %dma_wait3A_332, %dma_wait3A_333] : memref<4x256x128xf32, #tpu.memory_space<vmem_shared>> -> memref<1x64x128xf32, #tpu.memory_space<vmem_shared>>
    %dma_wait3A_335 = tpu.memref_squeeze %dma_wait3A_334 : memref<1x64x128xf32, #tpu.memory_space<vmem_shared>> -> memref<64x128xf32, #tpu.memory_space<vmem_shared>>
    tpu.wait_dma2 semaphore(%arg13 : memref<!tpu.dma_semaphore, #tpu.memory_space<semaphore_mem>>) src(%dma_wait3A_335 : memref<64x128xf32, #tpu.memory_space<vmem_shared>>) dst(%dma_wait3A_331 : memref<64x128xf32, #tpu.memory_space<vmem>>)
    %scan3A_336 = arith.constant 0 : i32
    %scan3A_337 = arith.constant 0 : i32
    %scan3A_338 = arith.constant 64 : i32
    %scan3A_339 = arith.addi %scan3A_337, %scan3A_338 : i32
    %scan3A_340 = arith.constant 1 : i32
    %scan3A_341 = scf.for %scan3A_405 = %scan3A_337 to %scan3A_339 step %scan3A_340 iter_args(%scan3A_406 = %scan3A_336) -> (i32)  : i32 {
      %add3A_407 = arith.constant 192 : i32
      %add3A_408 = arith.addi %add3A_407, %scan3A_405 : i32
      %get3A = arith.index_cast %add3A_408 : i32 to index
      %get3A_409 = arith.constant 0 : index
      %get3A_410 = tpu.vector_load %arg8[%get3A, %get3A_409] {strides = array<i32>} : memref<256x128xf32, #tpu.memory_space<vmem>>, vector<1x16xf32>,
      %get3A_411 = vector.shape_cast %get3A_410 : vector<1x16xf32> to vector<16xf32>
      %swap3A = arith.index_cast %add3A_408 : i32 to index
      %swap3A_412 = arith.constant 0 : index
      %swap3A_413 = tpu.vector_load %arg7[%swap3A, %swap3A_412] {strides = array<i32>} : memref<256x128xf32, #tpu.memory_space<vmem>>, vector<1x16xf32>,
      %swap3A_414 = vector.shape_cast %swap3A_413 : vector<1x16xf32> to vector<16xf32>
      %swap3A_415 = vector.shape_cast %get3A_411 : vector<16xf32> to vector<1x16xf32>
      tpu.vector_store %arg7[%swap3A, %swap3A_412], %swap3A_415 {add = true, strides = array<i32>} : memref<256x128xf32, #tpu.memory_space<vmem>>, vector<1x16xf32>,
      %get3A_416 = arith.index_cast %add3A_408 : i32 to index
      %get3A_417 = arith.constant 16 : index
      %get3A_418 = tpu.vector_load %arg8[%get3A_416, %get3A_417] {strides = array<i32>} : memref<256x128xf32, #tpu.memory_space<vmem>>, vector<1x16xf32>,
      %get3A_419 = vector.shape_cast %get3A_418 : vector<1x16xf32> to vector<16xf32>
      %swap3A_420 = arith.index_cast %add3A_408 : i32 to index
      %swap3A_421 = arith.constant 16 : index
      %swap3A_422 = tpu.vector_load %arg7[%swap3A_420, %swap3A_421] {strides = array<i32>} : memref<256x128xf32, #tpu.memory_space<vmem>>, vector<1x16xf32>,
      %swap3A_423 = vector.shape_cast %swap3A_422 : vector<1x16xf32> to vector<16xf32>
      %swap3A_424 = vector.shape_cast %get3A_419 : vector<16xf32> to vector<1x16xf32>
      tpu.vector_store %arg7[%swap3A_420, %swap3A_421], %swap3A_424 {add = true, strides = array<i32>} : memref<256x128xf32, #tpu.memory_space<vmem>>, vector<1x16xf32>,
      %get3A_425 = arith.index_cast %add3A_408 : i32 to index
      %get3A_426 = arith.constant 32 : index
      %get3A_427 = tpu.vector_load %arg8[%get3A_425, %get3A_426] {strides = array<i32>} : memref<256x128xf32, #tpu.memory_space<vmem>>, vector<1x16xf32>,
      %get3A_428 = vector.shape_cast %get3A_427 : vector<1x16xf32> to vector<16xf32>
      %swap3A_429 = arith.index_cast %add3A_408 : i32 to index
      %swap3A_430 = arith.constant 32 : index
      %swap3A_431 = tpu.vector_load %arg7[%swap3A_429, %swap3A_430] {strides = array<i32>} : memref<256x128xf32, #tpu.memory_space<vmem>>, vector<1x16xf32>,
      %swap3A_432 = vector.shape_cast %swap3A_431 : vector<1x16xf32> to vector<16xf32>
      %swap3A_433 = vector.shape_cast %get3A_428 : vector<16xf32> to vector<1x16xf32>
      tpu.vector_store %arg7[%swap3A_429, %swap3A_430], %swap3A_433 {add = true, strides = array<i32>} : memref<256x128xf32, #tpu.memory_space<vmem>>, vector<1x16xf32>,
      %get3A_434 = arith.index_cast %add3A_408 : i32 to index
      %get3A_435 = arith.constant 48 : index
      %get3A_436 = tpu.vector_load %arg8[%get3A_434, %get3A_435] {strides = array<i32>} : memref<256x128xf32, #tpu.memory_space<vmem>>, vector<1x16xf32>,
      %get3A_437 = vector.shape_cast %get3A_436 : vector<1x16xf32> to vector<16xf32>
      %swap3A_438 = arith.index_cast %add3A_408 : i32 to index
      %swap3A_439 = arith.constant 48 : index
      %swap3A_440 = tpu.vector_load %arg7[%swap3A_438, %swap3A_439] {strides = array<i32>} : memref<256x128xf32, #tpu.memory_space<vmem>>, vector<1x16xf32>,
      %swap3A_441 = vector.shape_cast %swap3A_440 : vector<1x16xf32> to vector<16xf32>
      %swap3A_442 = vector.shape_cast %get3A_437 : vector<16xf32> to vector<1x16xf32>
      tpu.vector_store %arg7[%swap3A_438, %swap3A_439], %swap3A_442 {add = true, strides = array<i32>} : memref<256x128xf32, #tpu.memory_space<vmem>>, vector<1x16xf32>,
      %get3A_443 = arith.index_cast %add3A_408 : i32 to index
      %get3A_444 = arith.constant 64 : index
      %get3A_445 = tpu.vector_load %arg8[%get3A_443, %get3A_444] {strides = array<i32>} : memref<256x128xf32, #tpu.memory_space<vmem>>, vector<1x16xf32>,
      %get3A_446 = vector.shape_cast %get3A_445 : vector<1x16xf32> to vector<16xf32>
      %swap3A_447 = arith.index_cast %add3A_408 : i32 to index
      %swap3A_448 = arith.constant 64 : index
      %swap3A_449 = tpu.vector_load %arg7[%swap3A_447, %swap3A_448] {strides = array<i32>} : memref<256x128xf32, #tpu.memory_space<vmem>>, vector<1x16xf32>,
      %swap3A_450 = vector.shape_cast %swap3A_449 : vector<1x16xf32> to vector<16xf32>
      %swap3A_451 = vector.shape_cast %get3A_446 : vector<16xf32> to vector<1x16xf32>
      tpu.vector_store %arg7[%swap3A_447, %swap3A_448], %swap3A_451 {add = true, strides = array<i32>} : memref<256x128xf32, #tpu.memory_space<vmem>>, vector<1x16xf32>,
      %get3A_452 = arith.index_cast %add3A_408 : i32 to index
      %get3A_453 = arith.constant 80 : index
      %get3A_454 = tpu.vector_load %arg8[%get3A_452, %get3A_453] {strides = array<i32>} : memref<256x128xf32, #tpu.memory_space<vmem>>, vector<1x16xf32>,
      %get3A_455 = vector.shape_cast %get3A_454 : vector<1x16xf32> to vector<16xf32>
      %swap3A_456 = arith.index_cast %add3A_408 : i32 to index
      %swap3A_457 = arith.constant 80 : index
      %swap3A_458 = tpu.vector_load %arg7[%swap3A_456, %swap3A_457] {strides = array<i32>} : memref<256x128xf32, #tpu.memory_space<vmem>>, vector<1x16xf32>,
      %swap3A_459 = vector.shape_cast %swap3A_458 : vector<1x16xf32> to vector<16xf32>
      %swap3A_460 = vector.shape_cast %get3A_455 : vector<16xf32> to vector<1x16xf32>
      tpu.vector_store %arg7[%swap3A_456, %swap3A_457], %swap3A_460 {add = true, strides = array<i32>} : memref<256x128xf32, #tpu.memory_space<vmem>>, vector<1x16xf32>,
      %get3A_461 = arith.index_cast %add3A_408 : i32 to index
      %get3A_462 = arith.constant 96 : index
      %get3A_463 = tpu.vector_load %arg8[%get3A_461, %get3A_462] {strides = array<i32>} : memref<256x128xf32, #tpu.memory_space<vmem>>, vector<1x16xf32>,
      %get3A_464 = vector.shape_cast %get3A_463 : vector<1x16xf32> to vector<16xf32>
      %swap3A_465 = arith.index_cast %add3A_408 : i32 to index
      %swap3A_466 = arith.constant 96 : index
      %swap3A_467 = tpu.vector_load %arg7[%swap3A_465, %swap3A_466] {strides = array<i32>} : memref<256x128xf32, #tpu.memory_space<vmem>>, vector<1x16xf32>,
      %swap3A_468 = vector.shape_cast %swap3A_467 : vector<1x16xf32> to vector<16xf32>
      %swap3A_469 = vector.shape_cast %get3A_464 : vector<16xf32> to vector<1x16xf32>
      tpu.vector_store %arg7[%swap3A_465, %swap3A_466], %swap3A_469 {add = true, strides = array<i32>} : memref<256x128xf32, #tpu.memory_space<vmem>>, vector<1x16xf32>,
      %get3A_470 = arith.index_cast %add3A_408 : i32 to index
      %get3A_471 = arith.constant 112 : index
      %get3A_472 = tpu.vector_load %arg8[%get3A_470, %get3A_471] {strides = array<i32>} : memref<256x128xf32, #tpu.memory_space<vmem>>, vector<1x16xf32>,
      %get3A_473 = vector.shape_cast %get3A_472 : vector<1x16xf32> to vector<16xf32>
      %swap3A_474 = arith.index_cast %add3A_408 : i32 to index
      %swap3A_475 = arith.constant 112 : index
      %swap3A_476 = tpu.vector_load %arg7[%swap3A_474, %swap3A_475] {strides = array<i32>} : memref<256x128xf32, #tpu.memory_space<vmem>>, vector<1x16xf32>,
      %swap3A_477 = vector.shape_cast %swap3A_476 : vector<1x16xf32> to vector<16xf32>
      %swap3A_478 = vector.shape_cast %get3A_473 : vector<16xf32> to vector<1x16xf32>
      tpu.vector_store %arg7[%swap3A_474, %swap3A_475], %swap3A_478 {add = true, strides = array<i32>} : memref<256x128xf32, #tpu.memory_space<vmem>>, vector<1x16xf32>,
      %scan3A_479 = arith.constant 0 : i32
      scf.yield %scan3A_479 : i32
    }
    %scan3A_342 = arith.constant 64 : i32
    %add3A_343 = arith.constant 192 : i32
    %add3A_344 = arith.addi %mul3A_32, %add3A_343 : i32
    %dma_start3A_345 = arith.constant 192 : i32
    %dma_start3A_346 = arith.constant 0 : i32
    %dma_start3A_347 = tpu.memref_slice %arg7[%dma_start3A_345, %dma_start3A_346] : memref<256x128xf32, #tpu.memory_space<vmem>> -> memref<64x128xf32, #tpu.memory_space<vmem>>
    %dma_start3A_348 = arith.constant 0 : i32
    %dma_start3A_349 = tpu.memref_slice %arg5[%select_n3A, %add3A_344, %dma_start3A_348] : memref<4x2048x128xf32, #tpu.memory_space<hbm>> -> memref<1x64x128xf32, #tpu.memory_space<hbm>>
    %dma_start3A_350 = tpu.memref_squeeze %dma_start3A_349 : memref<1x64x128xf32, #tpu.memory_space<hbm>> -> memref<64x128xf32, #tpu.memory_space<hbm>>
    %dma_start3A_351 = arith.constant 0 : i32
    %dma_start3A_352 = tpu.memref_slice %arg5[%select_n3A, %add3A_344, %dma_start3A_351] : memref<4x2048x128xf32, #tpu.memory_space<hbm>> -> memref<1x64x128xf32, #tpu.memory_space<hbm>>
    %dma_start3A_353 = tpu.memref_squeeze %dma_start3A_352 : memref<1x64x128xf32, #tpu.memory_space<hbm>> -> memref<64x128xf32, #tpu.memory_space<hbm>>
    %dma_start3A_354 = arith.constant 192 : i32
    %dma_start3A_355 = arith.constant 0 : i32
    %dma_start3A_356 = tpu.memref_slice %arg7[%dma_start3A_354, %dma_start3A_355] : memref<256x128xf32, #tpu.memory_space<vmem>> -> memref<64x128xf32, #tpu.memory_space<vmem>>
    tpu.enqueue_dma source(%dma_start3A_356 : memref<64x128xf32, #tpu.memory_space<vmem>>) target(%dma_start3A_353 : memref<64x128xf32, #tpu.memory_space<hbm>>) target_semaphore(%arg11 : memref<!tpu.dma_semaphore, #tpu.memory_space<semaphore_mem>>)
    %dma_wait3A_357 = arith.constant 0 : i32
    %dma_wait3A_358 = arith.constant 0 : i32
    %dma_wait3A_359 = tpu.memref_slice %arg7[%dma_wait3A_357, %dma_wait3A_358] : memref<256x128xf32, #tpu.memory_space<vmem>> -> memref<64x128xf32, #tpu.memory_space<vmem>>
    %dma_wait3A_360 = arith.constant 0 : i32
    %dma_wait3A_361 = tpu.memref_slice %arg5[%select_n3A, %add3A_215, %dma_wait3A_360] : memref<4x2048x128xf32, #tpu.memory_space<hbm>> -> memref<1x64x128xf32, #tpu.memory_space<hbm>>
    %dma_wait3A_362 = tpu.memref_squeeze %dma_wait3A_361 : memref<1x64x128xf32, #tpu.memory_space<hbm>> -> memref<64x128xf32, #tpu.memory_space<hbm>>
    %dma_wait3A_363 = arith.constant 0 : i32
    %dma_wait3A_364 = tpu.memref_slice %arg5[%select_n3A, %add3A_215, %dma_wait3A_363] : memref<4x2048x128xf32, #tpu.memory_space<hbm>> -> memref<1x64x128xf32, #tpu.memory_space<hbm>>
    %dma_wait3A_365 = tpu.memref_squeeze %dma_wait3A_364 : memref<1x64x128xf32, #tpu.memory_space<hbm>> -> memref<64x128xf32, #tpu.memory_space<hbm>>
    %dma_wait3A_366 = arith.constant 0 : i32
    %dma_wait3A_367 = arith.constant 0 : i32
    %dma_wait3A_368 = tpu.memref_slice %arg7[%dma_wait3A_366, %dma_wait3A_367] : memref<256x128xf32, #tpu.memory_space<vmem>> -> memref<64x128xf32, #tpu.memory_space<vmem>>
    tpu.wait_dma2 semaphore(%arg11 : memref<!tpu.dma_semaphore, #tpu.memory_space<semaphore_mem>>) src(%dma_wait3A_368 : memref<64x128xf32, #tpu.memory_space<vmem>>) dst(%dma_wait3A_365 : memref<64x128xf32, #tpu.memory_space<hbm>>)
    %dma_wait3A_369 = arith.constant 64 : i32
    %dma_wait3A_370 = arith.constant 0 : i32
    %dma_wait3A_371 = tpu.memref_slice %arg7[%dma_wait3A_369, %dma_wait3A_370] : memref<256x128xf32, #tpu.memory_space<vmem>> -> memref<64x128xf32, #tpu.memory_space<vmem>>
    %dma_wait3A_372 = arith.constant 0 : i32
    %dma_wait3A_373 = tpu.memref_slice %arg5[%select_n3A, %add3A_258, %dma_wait3A_372] : memref<4x2048x128xf32, #tpu.memory_space<hbm>> -> memref<1x64x128xf32, #tpu.memory_space<hbm>>
    %dma_wait3A_374 = tpu.memref_squeeze %dma_wait3A_373 : memref<1x64x128xf32, #tpu.memory_space<hbm>> -> memref<64x128xf32, #tpu.memory_space<hbm>>
    %dma_wait3A_375 = arith.constant 0 : i32
    %dma_wait3A_376 = tpu.memref_slice %arg5[%select_n3A, %add3A_258, %dma_wait3A_375] : memref<4x2048x128xf32, #tpu.memory_space<hbm>> -> memref<1x64x128xf32, #tpu.memory_space<hbm>>
    %dma_wait3A_377 = tpu.memref_squeeze %dma_wait3A_376 : memref<1x64x128xf32, #tpu.memory_space<hbm>> -> memref<64x128xf32, #tpu.memory_space<hbm>>
    %dma_wait3A_378 = arith.constant 64 : i32
    %dma_wait3A_379 = arith.constant 0 : i32
    %dma_wait3A_380 = tpu.memref_slice %arg7[%dma_wait3A_378, %dma_wait3A_379] : memref<256x128xf32, #tpu.memory_space<vmem>> -> memref<64x128xf32, #tpu.memory_space<vmem>>
    tpu.wait_dma2 semaphore(%arg11 : memref<!tpu.dma_semaphore, #tpu.memory_space<semaphore_mem>>) src(%dma_wait3A_380 : memref<64x128xf32, #tpu.memory_space<vmem>>) dst(%dma_wait3A_377 : memref<64x128xf32, #tpu.memory_space<hbm>>)
    %dma_wait3A_381 = arith.constant 128 : i32
    %dma_wait3A_382 = arith.constant 0 : i32
    %dma_wait3A_383 = tpu.memref_slice %arg7[%dma_wait3A_381, %dma_wait3A_382] : memref<256x128xf32, #tpu.memory_space<vmem>> -> memref<64x128xf32, #tpu.memory_space<vmem>>
    %dma_wait3A_384 = arith.constant 0 : i32
    %dma_wait3A_385 = tpu.memref_slice %arg5[%select_n3A, %add3A_301, %dma_wait3A_384] : memref<4x2048x128xf32, #tpu.memory_space<hbm>> -> memref<1x64x128xf32, #tpu.memory_space<hbm>>
    %dma_wait3A_386 = tpu.memref_squeeze %dma_wait3A_385 : memref<1x64x128xf32, #tpu.memory_space<hbm>> -> memref<64x128xf32, #tpu.memory_space<hbm>>
    %dma_wait3A_387 = arith.constant 0 : i32
    %dma_wait3A_388 = tpu.memref_slice %arg5[%select_n3A, %add3A_301, %dma_wait3A_387] : memref<4x2048x128xf32, #tpu.memory_space<hbm>> -> memref<1x64x128xf32, #tpu.memory_space<hbm>>
    %dma_wait3A_389 = tpu.memref_squeeze %dma_wait3A_388 : memref<1x64x128xf32, #tpu.memory_space<hbm>> -> memref<64x128xf32, #tpu.memory_space<hbm>>
    %dma_wait3A_390 = arith.constant 128 : i32
    %dma_wait3A_391 = arith.constant 0 : i32
    %dma_wait3A_392 = tpu.memref_slice %arg7[%dma_wait3A_390, %dma_wait3A_391] : memref<256x128xf32, #tpu.memory_space<vmem>> -> memref<64x128xf32, #tpu.memory_space<vmem>>
    tpu.wait_dma2 semaphore(%arg11 : memref<!tpu.dma_semaphore, #tpu.memory_space<semaphore_mem>>) src(%dma_wait3A_392 : memref<64x128xf32, #tpu.memory_space<vmem>>) dst(%dma_wait3A_389 : memref<64x128xf32, #tpu.memory_space<hbm>>)
    %dma_wait3A_393 = arith.constant 192 : i32
    %dma_wait3A_394 = arith.constant 0 : i32
    %dma_wait3A_395 = tpu.memref_slice %arg7[%dma_wait3A_393, %dma_wait3A_394] : memref<256x128xf32, #tpu.memory_space<vmem>> -> memref<64x128xf32, #tpu.memory_space<vmem>>
    %dma_wait3A_396 = arith.constant 0 : i32
    %dma_wait3A_397 = tpu.memref_slice %arg5[%select_n3A, %add3A_344, %dma_wait3A_396] : memref<4x2048x128xf32, #tpu.memory_space<hbm>> -> memref<1x64x128xf32, #tpu.memory_space<hbm>>
    %dma_wait3A_398 = tpu.memref_squeeze %dma_wait3A_397 : memref<1x64x128xf32, #tpu.memory_space<hbm>> -> memref<64x128xf32, #tpu.memory_space<hbm>>
    %dma_wait3A_399 = arith.constant 0 : i32
    %dma_wait3A_400 = tpu.memref_slice %arg5[%select_n3A, %add3A_344, %dma_wait3A_399] : memref<4x2048x128xf32, #tpu.memory_space<hbm>> -> memref<1x64x128xf32, #tpu.memory_space<hbm>>
    %dma_wait3A_401 = tpu.memref_squeeze %dma_wait3A_400 : memref<1x64x128xf32, #tpu.memory_space<hbm>> -> memref<64x128xf32, #tpu.memory_space<hbm>>
    %dma_wait3A_402 = arith.constant 192 : i32
    %dma_wait3A_403 = arith.constant 0 : i32
    %dma_wait3A_404 = tpu.memref_slice %arg7[%dma_wait3A_402, %dma_wait3A_403] : memref<256x128xf32, #tpu.memory_space<vmem>> -> memref<64x128xf32, #tpu.memory_space<vmem>>
    tpu.wait_dma2 semaphore(%arg11 : memref<!tpu.dma_semaphore, #tpu.memory_space<semaphore_mem>>) src(%dma_wait3A_404 : memref<64x128xf32, #tpu.memory_space<vmem>>) dst(%dma_wait3A_401 : memref<64x128xf32, #tpu.memory_space<hbm>>)
    return
  }
}

</mosaic_0001>

<sc_bundles>
// kernel: kernel.3.cloned.1.call-start
scs
__scs_entry_jumppad:
0x0: {  	(pc) =	sbr.rel $0x88, $3  }
0x1: {  	(tag) =	ssettag $0x0;
	lr =	simm.s32 $0x1  }
0x2: {  	[smem:$0x3F9E] =	sst lr;
	_ =	strace $0xD0000000  }
0x3: {  	_ = 	snop  }
0x4: {  	_ = 	snop  }
0x5: {  	_ = 	snop  }
0x6: {  	_ = 	snop  }
0x7: {  	_ = 	snop  }
__scs_overlays_trampoline_lowered:
0x8: {  	[smem:$0x3FAD] =	sst s0  }
0x9: {  	[smem:$0x3FAE] =	sst s1  }
0xa: {  	[smem:$0x3FAF] =	sst s2  }
0xb: {  	[smem:$0x3FB0] =	sst s3  }
0xc: {  	[smem:$0x3FB1] =	sst s4  }
0xd: {  	[smem:$0x3FB2] =	sst s5  }
0xe: {  	[smem:$0x3FB3] =	sst s6  }
0xf: {  	[smem:$0x3FB4] =	sst s7  }
0x10: {  	[smem:$0x3FB5] =	sst s8  }
0x11: {  	[smem:$0x3FB6] =	sst s9;
	s0 =	simm.s32 @!p0 $0x0  }
0x12: {  	s1 =	sld [smem:$0x3F9C];
	s0 =	simm.s32 @p0 $0x1  }
0x13: {  	[smem:$0x3FB7] =	sst s0;
	s0 =	simm.s32 @!p1 $0x0  }
0x14: {  	s2 =	sld [smem:$0x3F9B];
	s0 =	simm.s32 @p1 $0x1  }
0x15: {  	[smem:$0x3FB8] =	sst s0;
	s0 =	simm.s32 @!p2 $0x0  }
0x16: {  	s3 =	sld [smem:$0x3FDB];
	s0 =	simm.s32 @p2 $0x1  }
0x17: {  	s4 =	simm.s32 $0x1BF5;
	[smem:$0x3FBA] =	sst s0  }
0x18: {  	s0 =	sld [smem:$0x3F9D];
	_ =	swait.ge [sflag:s4], $0x0  }
0x19: {  	s7 =	sld [smem:$0x3F9E]  }
0x1a: {  	s8 =	sadd.s32 $0xFFFFE003, lr  }
0x1b: {  	s9 =	sadd.s32 $0xFFFFFEF7, lr;
	s5 =	simm.s32 $0xFFFFFFFF;
	p2 =	slt.u32 s8, $0xFFFFF086  }
0x1c: {  	p1 =	slt.u32 s9, $0xF7A;
	s5 =	simm.s32 @!p2 $0x0  }
0x1d: {  	s5 =	simm.s32 @p1 $0x1;
	p0 =	seq.s32 s7, s2  }
0x1e: {  	s7 =	smul.u32 @!p0 $0xF7A, s2;
	p2 =	seq.s32 @!p0 s5, $0x0  }
0x1f: {  	s9 =	smul.u32 $0xF7A, s1;
	s8 =	simm.s32 @!p0 $0x1BF5;
	p2 =	por !p2, p0  }
0x20: {  	[sflag:s8] =	ssyncset.s32 @!p0 $0xFFFFF086;
	s6 =	sadd.s32 @!p0 s3, s7;
	s7 =	simm.s32 @!p0 $0x108  }
0x21: {  	s3 =	sadd.s32 s3, s9;
	s6 =	sadd.s32 @!p0 $0x88, s6;
	s7 =	simm.s32 @p2 $0x1082  }
0x22: {  	[simem:s7], [sflag:s8] =	dma.local @!p0 [hbm:s6], $0xF7A  }
0x23: {  	s9 =	sor.u32 $0xD0000000, s2;
	s6 =	simm.s32 $0x108;
	_ =	swait.ge @!p0 [sflag:s8], $0x0  }
0x24: {  	s3 =	sadd.s32 $0x88, s3;
	s6 =	simm.s32 @!p1 $0x1082;
	[sflag:s4] =	ssyncset.s32 $0xFFFFF086  }
0x25: {  	[simem:s6], [sflag:s4] =	dma.local [hbm:s3], $0xF7A  }
0x26: {  	[smem:$0x3F9E] =	sst s1;
	(tag) =	ssettag s2;
	_ =	strace s9  }
0x27: {  	s1 =	sld [smem:$0x3FAE]  }
0x28: {  	s2 =	sld [smem:$0x3FAF]  }
0x29: {  	s4 =	sld [smem:$0x3FB1]  }
0x2a: {  	p0 =	seq.s32 s5, $0x0;
	s5 =	sld [smem:$0x3FB2]  }
0x2b: {  	s6 =	sld [smem:$0x3FB3]  }
0x2c: {  	s7 =	sld [smem:$0x3FB4]  }
0x2d: {  	s3 =	simm.s32 $0x108;
	s8 =	sld [smem:$0x3FB5]  }
0x2e: {  	s3 =	simm.s32 @!p0 $0x1082;
	s9 =	sld [smem:$0x3FB6]  }
0x2f: {  	lr =	sadd.s32 s0, s3;
	s0 =	sld [smem:$0x3FAD]  }
0x30: {  	s3 =	sld [smem:$0x3FB0]  }
0x31: {  	[smem:$0x3FB9] =	sst s10  }
0x32: {  	s10 =	sld [smem:$0x3FB7];
	_ =	sdelay $0x3  }
0x33: {  	p0 =	seq.s32 s10, $0x1;
	s10 =	sld [smem:$0x3FB9];
	_ =	sdelay $0x3  }
0x34: {  	[smem:$0x3FB9] =	sst s10  }
0x35: {  	s10 =	sld [smem:$0x3FB8];
	_ =	sdelay $0x3  }
0x36: {  	p1 =	seq.s32 s10, $0x1;
	s10 =	sld [smem:$0x3FB9];
	_ =	sdelay $0x3  }
0x37: {  	[smem:$0x3FB9] =	sst s10  }
0x38: {  	s10 =	sld [smem:$0x3FBA]  }
0x39: {  	_ = 	snop;
	(pc) =	sbr.ind lr, $3  }
0x3a: {  	_ = 	snop  }
0x3b: {  	_ = 	snop  }
0x3c: {  	p2 =	seq.s32 s10, $0x1;
	s10 =	sld [smem:$0x3FB9]  }
0x3d: {  	_ =	shalt  }
0x3e: {  	_ =	shalt  }
0x3f: {  	_ =	shalt  }
0x40: {  	_ =	shalt  }
0x41: {  	_ =	shalt  }
0x42: {  	_ =	shalt  }
0x43: {  	_ =	shalt  }
0x44: {  	_ =	shalt  }
0x45: {  	_ =	shalt  }
0x46: {  	_ =	shalt  }
0x47: {  	_ =	shalt  }
0x48: {  	_ =	shalt  }
0x49: {  	_ =	shalt  }
0x4a: {  	_ =	shalt  }
0x4b: {  	_ =	shalt  }
0x4c: {  	_ =	shalt  }
0x4d: {  	_ =	shalt  }
0x4e: {  	_ =	shalt  }
0x4f: {  	_ =	shalt  }
0x50: {  	_ =	shalt  }
0x51: {  	_ =	shalt  }
0x52: {  	_ =	shalt  }
0x53: {  	_ =	shalt  }
0x54: {  	_ =	shalt  }
0x55: {  	_ =	shalt  }
0x56: {  	_ =	shalt  }
0x57: {  	_ =	shalt  }
0x58: {  	_ =	shalt  }
0x59: {  	_ =	shalt  }
0x5a: {  	_ =	shalt  }
0x5b: {  	_ =	shalt  }
0x5c: {  	_ =	shalt  }
0x5d: {  	_ =	shalt  }
0x5e: {  	_ =	shalt  }
0x5f: {  	_ =	shalt  }
0x60: {  	_ =	shalt  }
0x61: {  	_ =	shalt  }
0x62: {  	_ =	shalt  }
0x63: {  	_ =	shalt  }
0x64: {  	_ =	shalt  }
0x65: {  	_ =	shalt  }
0x66: {  	_ =	shalt  }
0x67: {  	_ =	shalt  }
0x68: {  	_ =	shalt  }
0x69: {  	_ =	shalt  }
0x6a: {  	_ =	shalt  }
0x6b: {  	_ =	shalt  }
0x6c: {  	_ =	shalt  }
0x6d: {  	_ =	shalt  }
0x6e: {  	_ =	shalt  }
0x6f: {  	_ =	shalt  }
0x70: {  	_ =	shalt  }
0x71: {  	_ =	shalt  }
0x72: {  	_ =	shalt  }
0x73: {  	_ =	shalt  }
0x74: {  	_ =	shalt  }
0x75: {  	_ =	shalt  }
0x76: {  	_ =	shalt  }
0x77: {  	_ =	shalt  }
0x78: {  	_ =	shalt  }
0x79: {  	_ =	shalt  }
0x7a: {  	_ =	shalt  }
0x7b: {  	_ =	shalt  }
0x7c: {  	_ =	shalt  }
0x7d: {  	_ =	shalt  }
0x7e: {  	_ =	shalt  }
0x7f: {  	_ =	shalt  }
0x80: {  	_ =	shalt  }
0x81: {  	_ =	shalt  }
0x82: {  	_ =	shalt  }
0x83: {  	_ =	shalt  }
0x84: {  	_ =	shalt  }
0x85: {  	_ =	shalt  }
0x86: {  	_ =	shalt  }
0x87: {  	_ =	shalt  }
.Lfunc_end0:
.L_simem_size_0:
called_computation_lowered:
.L_overlay_start_0:
0x88: {  	s2 =	sld [smem:$0x3FD9]  }
0x89: {  	s3 =	sld [smem:$0x3FFE];
	_ =	sdelay $0x1  }
0x8a: {  	s1 =	srdreg.scid  }
0x8b: {  	s0 =	sand.u32 $0x1, s1  }
0x8c: {  	s18 =	sshll.u32 s0, $0xA;
	s2 =	sadd.s32 s3, s2  }
0x8d: {  	s2 =	sadd.s32 s2, s18  }
0x8e: {  	[smem:$0x3FC5] =	sst s2  }
0x8f: {  	_ = 	snop  }
0x90: {  	s2 =	sld [smem:$0x3FC9]  }
0x91: {  	s19 =	sld [smem:$0x3FC8]  }
0x92: {  	s4 =	sld [smem:$0x3FC7]  }
0x93: {  	s5 =	sld [smem:$0x3FD0];
	(tm) =	ssettm $0x1  }
0x94: {  	s6 =	sld [smem:$0x3FFB];
	_ =	sdelay $0x3  }
0x95: {  	_ =	strace s6  }
0x96: {  	s6 =	sld [smem:$0x3FFC];
	_ =	sdelay $0x3  }
0x97: {  	_ =	strace s6  }
0x98: {  	s6 =	sld [smem:$0x3FFD];
	_ =	sdelay $0x3  }
0x99: {  	_ =	strace s6  }
0x9a: {  	_ =	strace $0x8FFFFFFF  }
0x9b: {  	s20 =	sld [smem:$0x3FDB];
	_ =	sdelay $0x1  }
0x9c: {  	s7 =	simm.s32 $_scs_section_size  }
0x9d: {  	s8 =	simm.s32 $_size__tile_overlayer_lowered;
	s9 =	simm.s32 $_tile_overlayer_lowered  }
0x9e: {  	s23 =	simm.s32 $0x1BFF;
	s22 =	sshll.u32 s9, $0x1;
	s6 =	sadd.s32 s7, s20  }
0x9f: {  	s10 =	simm.s32 $0x0;
	s21 =	sshll.u32 s8, $0x1;
	s8 =	sadd.s32 s22, s6  }
0xa0: {  	[timem:s10], [sflag:s23] =	dma.local [hbm:s8], s21  }
0xa1: {  	_ =	swait.ge [sflag:s23], s21  }
0xa2: {  	s7 =	ssub.s32 $0x0, s21;
	[sflag:s23] =	ssyncset.done $0x0  }
0xa3: {  	[sflag:s23] =	ssyncadd.s32 s7;
	_ =	sdelay $0x1  }
0xa4: {  	s24 =	simm.s32 $0x1B8B  }
0xa5: {  	_ =	swait.ge [sflag:s24], $0x1  }
0xa6: {  	[sflag:s24] =	ssyncset.done $0x0  }
0xa7: {  	s25 =	simm.s32 $0x1B8E;
	[sflag:s24] =	ssyncadd.s32 $0xFFFFFFFF  }
0xa8: {  	s26 =	simm.s32 $execute0_lowered;
	[smem:$0x3FD2] =	sst s25  }
0xa9: {  	s7 =	sshll.u32 s26, $0x1;
	_ =	strace $0x80000046;
	[dreg:$0x1] =	wrdreg $0xFFFFFFFF  }
0xaa: {  	s28 =	simm.s32 $_size_execute0_lowered;
	s6 =	sadd.s32 s6, s7;
	[dreg:$0x0] =	wrdreg $0x0  }
0xab: {  	s7 =	sshll.u32 s28, $0x1;
	[dreg:$0x2] =	wrdreg s6  }
0xac: {  	[dreg:$0x3] =	wrdreg s7  }
0xad: {  	[dreg:$0x4] =	wrdreg $0xC0  }
0xae: {  	_ =	task [dreg:s10], $0x5FFFF  }
0xaf: {  	[dreg:$0x1] =	wrdreg $0xFFFFFFFF  }
0xb0: {  	[dreg:$0x0] =	wrdreg $0x60  }
0xb1: {  	[dreg:$0x2] =	wrdreg s2  }
0xb2: {  	[dreg:$0x3] =	wrdreg s19  }
0xb3: {  	[dreg:$0x4] =	wrdreg s4  }
0xb4: {  	[dreg:$0x5] =	wrdreg s5  }
0xb5: {  	[dreg:$0x6] =	wrdreg $0x101000  }
0xb6: {  	[dreg:$0x7] =	wrdreg $0x9  }
0xb7: {  	_ =	task.clear_ibuf [dreg:s10], $0x8FFFF;
	_ =	strace $0x90000046  }
0xb8: {  	s29 =	simm.s32 $0x9;
	_ =	strace $0x80000048  }
0xb9: {  	_ =	swait.ge [sflag:s29], $0x1  }
0xba: {  	[sflag:s29] =	ssyncadd.s32 $0xFFFFFFFF  }
0xbb: {  	_ =	strace $0x90000048  }
0xbc: {  	_ =	sfence  }
0xbd: {  	s30 =	sld [smem:$0x0];
	_ =	sdelay $0x2  }
0xbe: {  	s31 =	sshll.u32 s1, $0xD;
	s1 =	sshrl.u32 s1, $0x2  }
0xbf: {  	s3 =	sand.u32 $0x4000, s31;
	s1 =	sadd.s32 s1, s30  }
0xc0: {  	s0 =	sor.u32 s3, s0;
	s1 =	sshll.u32 s1, $0x11  }
0xc1: {  	s0 =	sor.u32 s1, s0  }
0xc2: {  	s0 =	sadd.s32 $0x8F2B, s0  }
0xc3: {  	[sflag:s0] =	ssyncadd.remote.s32 $0x1  }
0xc4: {  	_ =	sfence.sel $0xFFFF  }
0xc5: {  	[dreg:$0x0] =	wrdreg $0xFFFFFFFF;
	(pc) =	sbr.abs _section_cstart, $3  }
0xc6: {  	[dreg:$0x1] =	wrdreg $0xFFFFFFFF  }
0xc7: {  	_ =	task.clear_ibuf [dreg:s10], $0x2FFFF;
	_ =	strace $0x9FFFFFFF  }
0xc8: {  	(tm) =	ssettm $0x7FFFFFFF  }
0xc9: {  	_ =	shalt  }
tec
execute0_lowered:
.L_overlay_start_1:
0x0: {  	(tag) =	ssettag $0x1  }
0x1: {  	s0 =	rddreg [dreg:$0x0]  }
0x2: {  	s1 =	rddreg [dreg:$0x1]  }
0x3: {  	s5 =	rddreg [dreg:$0x2]  }
0x4: {  	s9 =	rddreg [dreg:$0x3]  }
0x5: {  	s6 =	rddreg [dreg:$0x4];
	s3 =	simm.s32 $0x0;
	s4 =	srdreg.scid  }
0x6: {  	s2 =	stileid.u32;
	s15 =	simm.s32 $0x80;
	s17 =	simm.s32 $0x5  }
0x7: {  	s18 =	simm.s32 $0x40;
	s19 =	simm.s32 $0x100;
	s20 =	simm.s32 $0x2100  }
0x8: {  	s21 =	simm.s32 $0x4100;
	s28 =	simm.s32 $0xC100;
	s29 =	simm.s32 $0xE100  }
0x9: {  	s30 =	simm.s32 $0x1;
	s31 =	simm.s32 $0x4;
	s16 =	simm.s32 $0x0  }
0xa: {  	[smem:$0x7FF] =	sst s3;
	s4 =	sand.u32 $0x1, s4;
	s8 =	sshll.u32 s2, $0x1  }
0xb: {  	s11 =	sshrl.u32 s2, $0x2;
	s25 =	sshll.u32 s2, $0xF;
	p0 =	sgt.u32 s2, $0x3  }
0xc: {  	_ =	strace $0x80000047;
	s7 =	ssub.s32 $0x2, s4;
	s8 =	sor.u32 s4, s8  }
0xd: {  	s23 =	sshll.u32 s11, $0x4;
	s26 =	sshll.u32 s11, $0xF;
	s10 =	sshrl.u32 s7, $0x1  }
0xe: {  	s4 =	sand.u32 $0x7, s8;
	s0 =	sadd.s32 s0, s23;
	s8 =	sshll.u32 s8, $0xC  }
0xf: {  	s23 =	simm.s32 $0x6100;
	s14 =	ssub.s32 s7, s10;
	s24 =	sshll.u32 s4, $0x7  }
0x10: {  	s12 =	sshll.u32 s4, $0xC;
	s7 =	sand.u32 $0x18000, s25;
	s5 =	sadd.s32 s5, s8  }
0x11: {  	s4 =	sadd.s32 s24, s0;
	s0 =	sadd.s32 s25, s6;
	s6 =	sadd.s32 s7, s6  }
0x12: {  	s10 =	sor.u32 s26, s12;
	s14 =	smax.u32 s14, $0x1;
	s26 =	simm.s32 $0xA100  }
0x13: {  	s7 =	sadd.s32 $0x2000, s6;
	s8 =	sadd.s32 $0x4000, s6;
	s9 =	sadd.s32 s9, s10  }
0x14: {  	s10 =	sadd.s32 $0x6000, s6;
	s24 =	sshrl.u32 @!p0 s0, $0x3;
	s0 =	simm.s32 $0x2  }
0x15: {  	s11 =	sadd.s32 $0x400, s9;
	s12 =	sadd.s32 $0x800, s9;
	s13 =	sadd.s32 $0xC00, s9  }
.LBB2_1:
0x16: {  	s22 =	simm.s32 $0x200  }
0x17: {  	[tilespmem:s3], [sflag:$0x5] =	stream.strided.gather [hbm4b:s4+s15], $0x100, s22, s15, $0x38;
	[tilespmem:$0x12100] =	vst v63  }
0x18: {  	_ =	swait.ge [sflag:s17], $0x100  }
0x19: {  	[sflag:s17] =	ssyncset.done $0x0  }
0x1a: {  	[sflag:s17] =	ssyncadd.s32 $0xFFFFFF00  }
0x1b: {  	[tilespmem:s19], [sflag:$0x1] =	stream.indirect.gather [hbm4b:s1+s18], $0x80, s3, s18, $0xb8;
	[tilespmem:$0x12100] =	vst v63  }
0x1c: {  	_ = 	snop  }
0x1d: {  	[tilespmem:s20], [sflag:$0x1] =	stream.indirect.gather [hbm4b:s1+s18], $0x80, s18, s18, $0xb8;
	[tilespmem:$0x12100] =	vst v63  }
0x1e: {  	s22 =	sshll.u32 @!p0 s2, $0x6  }
0x1f: {  	[tilespmem:s21], [sflag:$0x1] =	stream.indirect.gather [hbm4b:s1+s18], $0x80, s15, s18, $0xb8;
	[tilespmem:$0x12100] =	vst v63  }
0x20: {  	s25 =	simm.s32 $0xC0;
	s22 =	sor.u32 @!p0 $0x1C03, s22  }
0x21: {  	[tilespmem:s23], [sflag:$0x1] =	stream.indirect.gather [hbm4b:s1+s18], $0x80, s25, s18, $0xb8;
	[tilespmem:$0x12100] =	vst v63  }
0x22: {  	[spmem:s24], [sflag:s22] =	dma.local @!p0 [hbm:s5], $0x1000  }
0x23: {  	s22 =	simm.s32 @!p0 $0x3  }
0x24: {  	_ =	swait.ge @!p0 [sflag:s22], $0x1000  }
0x25: {  	[sflag:s22] =	ssyncset.done @!p0 $0x0  }
0x26: {  	[sflag:s22] =	ssyncadd.s32 @!p0 $0xFFFFF000  }
0x27: {  	s25 =	simm.s32 $0x8100;
	[bflag:$0x0] =	sbarrier.arrive $0xFFFF  }
0x28: {  	[tilespmem:s25], [sflag:$0x4] =	stream.linear.gather [spmem:s6], $0x2000, $0x38;
	[tilespmem:$0x12100] =	vst v63  }
0x29: {  	_ = 	snop  }
0x2a: {  	[tilespmem:s26], [sflag:$0x4] =	stream.linear.gather [spmem:s7], $0x2000, $0x38;
	[tilespmem:$0x12100] =	vst v63  }
0x2b: {  	_ = 	snop  }
0x2c: {  	[tilespmem:s28], [sflag:$0x4] =	stream.linear.gather [spmem:s8], $0x2000, $0x38;
	[tilespmem:$0x12100] =	vst v63  }
0x2d: {  	_ = 	snop  }
0x2e: {  	[tilespmem:s29], [sflag:$0x4] =	stream.linear.gather [spmem:s10], $0x2000, $0x38;
	[tilespmem:$0x12100] =	vst v63  }
0x2f: {  	_ =	swait.ge [sflag:s30], $0x2000  }
0x30: {  	[sflag:s30] =	ssyncset.done $0x0  }
0x31: {  	[sflag:s30] =	ssyncadd.s32 $0xFFFFE000  }
0x32: {  	_ =	swait.ge [sflag:s31], $0x2000  }
0x33: {  	[sflag:s31] =	ssyncset.done $0x0  }
0x34: {  	s22 =	simm.s32 $0x0;
	s25 =	simm.s32 $0x200;
	[sflag:s31] =	ssyncadd.s32 $0xFFFFE000  }
.LBB2_2:
0x35: {  	p1 =	sne.s32 s25, $0x7E00;
	v0 =	vld [tilespmem:s22+$0x8170]  }
0x36: {  	v1 =	vld [tilespmem:s22+$0x8100]  }
0x37: {  	v2 =	vld [tilespmem:s22+$0x8110]  }
0x38: {  	v3 =	vld [tilespmem:s22+$0x8120]  }
0x39: {  	v4 =	vld [tilespmem:s22+$0x8130]  }
0x3a: {  	[tilespmem:s22+$0x170] =	vst.add.f32.msk $0xffff, v0  }
0x3b: {  	v0 =	vld [tilespmem:s22+$0x8140]  }
0x3c: {  	v5 =	vld [tilespmem:s22+$0x8150]  }
0x3d: {  	v6 =	vld [tilespmem:s22+$0x8160]  }
0x3e: {  	[tilespmem:s22+$0x100] =	vst.add.f32.msk $0xffff, v1  }
0x3f: {  	[tilespmem:s22+$0x110] =	vst.add.f32.msk $0xffff, v2  }
.Ltmp0:
0x40: {  	[tilespmem:s22+$0x120] =	vst.add.f32.msk $0xffff, v3;
	(pc) =	sbr.rel @p1 .LBB2_2-.Ltmp0, $4  }
0x41: {  	[tilespmem:s22+$0x130] =	vst.add.f32.msk $0xffff, v4  }
0x42: {  	[tilespmem:s22+$0x140] =	vst.add.f32.msk $0xffff, v0  }
0x43: {  	[tilespmem:s22+$0x150] =	vst.add.f32.msk $0xffff, v5  }
0x44: {  	[tilespmem:s22+$0x160] =	vst.add.f32.msk $0xffff, v6;
	s22 =	sshra.s32 s25, $0x2;
	s25 =	sadd.s32 $0x200, s25  }
0x45: {  	v0 =	vld [tilespmem:s22+$0x8170]  }
0x46: {  	v1 =	vld [tilespmem:s22+$0x8100]  }
0x47: {  	v2 =	vld [tilespmem:s22+$0x8110]  }
0x48: {  	v3 =	vld [tilespmem:s22+$0x8120]  }
0x49: {  	v4 =	vld [tilespmem:s22+$0x8130]  }
0x4a: {  	v63 =	vld [tilespmem:s22+$0x8140]  }
0x4b: {  	v5 =	vld [tilespmem:s22+$0x8150]  }
0x4c: {  	v6 =	vld [tilespmem:s22+$0x8160]  }
0x4d: {  	[tilespmem:s22+$0x170] =	vst.add.f32.msk $0xffff, v0  }
0x4e: {  	[tilespmem:s22+$0x100] =	vst.add.f32.msk $0xffff, v1  }
0x4f: {  	[tilespmem:s22+$0x110] =	vst.add.f32.msk $0xffff, v2  }
0x50: {  	[tilespmem:s22+$0x120] =	vst.add.f32.msk $0xffff, v3  }
0x51: {  	[tilespmem:s22+$0x130] =	vst.add.f32.msk $0xffff, v4  }
0x52: {  	[tilespmem:s22+$0x140] =	vst.add.f32.msk $0xffff, v63  }
0x53: {  	[tilespmem:s22+$0x150] =	vst.add.f32.msk $0xffff, v5  }
0x54: {  	s25 =	simm.s32 $0x0;
	[tilespmem:s22+$0x160] =	vst.add.f32.msk $0xffff, v6  }
0x55: {  	[hbm4b:s9+s25] =	stream.linear.scatter [tilespmem:s19], [sflag:$0x2], $0x2000, $0x38;
	[tilespmem:$0x12100] =	vst v63  }
0x56: {  	_ =	swait.ge [sflag:s30], $0x2000  }
0x57: {  	[sflag:s30] =	ssyncset.done $0x0  }
0x58: {  	[sflag:s30] =	ssyncadd.s32 $0xFFFFE000  }
0x59: {  	_ =	swait.ge [sflag:s31], $0x2000  }
0x5a: {  	[sflag:s31] =	ssyncset.done $0x0  }
0x5b: {  	s22 =	simm.s32 $0x0;
	s25 =	simm.s32 $0x200;
	[sflag:s31] =	ssyncadd.s32 $0xFFFFE000  }
.LBB2_4:
0x5c: {  	p1 =	sne.s32 s25, $0x7E00;
	v0 =	vld [tilespmem:s22+$0xA170]  }
0x5d: {  	v1 =	vld [tilespmem:s22+$0xA100]  }
0x5e: {  	v2 =	vld [tilespmem:s22+$0xA110]  }
0x5f: {  	v3 =	vld [tilespmem:s22+$0xA120]  }
0x60: {  	v4 =	vld [tilespmem:s22+$0xA130]  }
0x61: {  	[tilespmem:s22+$0x2170] =	vst.add.f32.msk $0xffff, v0  }
0x62: {  	v0 =	vld [tilespmem:s22+$0xA140]  }
0x63: {  	v5 =	vld [tilespmem:s22+$0xA150]  }
0x64: {  	v6 =	vld [tilespmem:s22+$0xA160]  }
0x65: {  	[tilespmem:s22+$0x2100] =	vst.add.f32.msk $0xffff, v1  }
0x66: {  	[tilespmem:s22+$0x2110] =	vst.add.f32.msk $0xffff, v2  }
.Ltmp1:
0x67: {  	[tilespmem:s22+$0x2120] =	vst.add.f32.msk $0xffff, v3;
	(pc) =	sbr.rel @p1 .LBB2_4-.Ltmp1, $4  }
0x68: {  	[tilespmem:s22+$0x2130] =	vst.add.f32.msk $0xffff, v4  }
0x69: {  	[tilespmem:s22+$0x2140] =	vst.add.f32.msk $0xffff, v0  }
0x6a: {  	[tilespmem:s22+$0x2150] =	vst.add.f32.msk $0xffff, v5  }
0x6b: {  	[tilespmem:s22+$0x2160] =	vst.add.f32.msk $0xffff, v6;
	s22 =	sshra.s32 s25, $0x2;
	s25 =	sadd.s32 $0x200, s25  }
0x6c: {  	v0 =	vld [tilespmem:s22+$0xA170]  }
0x6d: {  	v1 =	vld [tilespmem:s22+$0xA100]  }
0x6e: {  	v2 =	vld [tilespmem:s22+$0xA110]  }
0x6f: {  	v3 =	vld [tilespmem:s22+$0xA120]  }
0x70: {  	v4 =	vld [tilespmem:s22+$0xA130]  }
0x71: {  	v63 =	vld [tilespmem:s22+$0xA140]  }
0x72: {  	v5 =	vld [tilespmem:s22+$0xA150]  }
0x73: {  	v6 =	vld [tilespmem:s22+$0xA160]  }
0x74: {  	[tilespmem:s22+$0x2170] =	vst.add.f32.msk $0xffff, v0  }
0x75: {  	[tilespmem:s22+$0x2100] =	vst.add.f32.msk $0xffff, v1  }
0x76: {  	[tilespmem:s22+$0x2110] =	vst.add.f32.msk $0xffff, v2  }
0x77: {  	[tilespmem:s22+$0x2120] =	vst.add.f32.msk $0xffff, v3  }
0x78: {  	[tilespmem:s22+$0x2130] =	vst.add.f32.msk $0xffff, v4  }
0x79: {  	[tilespmem:s22+$0x2140] =	vst.add.f32.msk $0xffff, v63  }
0x7a: {  	[tilespmem:s22+$0x2150] =	vst.add.f32.msk $0xffff, v5  }
0x7b: {  	s25 =	simm.s32 $0x0;
	[tilespmem:s22+$0x2160] =	vst.add.f32.msk $0xffff, v6  }
0x7c: {  	[hbm4b:s11+s25] =	stream.linear.scatter [tilespmem:s20], [sflag:$0x2], $0x2000, $0x38;
	[tilespmem:$0x12100] =	vst v63  }
0x7d: {  	_ =	swait.ge [sflag:s30], $0x2000  }
0x7e: {  	[sflag:s30] =	ssyncset.done $0x0  }
0x7f: {  	[sflag:s30] =	ssyncadd.s32 $0xFFFFE000  }
0x80: {  	_ =	swait.ge [sflag:s31], $0x2000  }
0x81: {  	[sflag:s31] =	ssyncset.done $0x0  }
0x82: {  	s22 =	simm.s32 $0x0;
	s25 =	simm.s32 $0x200;
	[sflag:s31] =	ssyncadd.s32 $0xFFFFE000  }
.LBB2_6:
0x83: {  	p1 =	sne.s32 s25, $0x7E00;
	v0 =	vld [tilespmem:s22+$0xC170]  }
0x84: {  	v1 =	vld [tilespmem:s22+$0xC100]  }
0x85: {  	v2 =	vld [tilespmem:s22+$0xC110]  }
0x86: {  	v3 =	vld [tilespmem:s22+$0xC120]  }
0x87: {  	v4 =	vld [tilespmem:s22+$0xC130]  }
0x88: {  	[tilespmem:s22+$0x4170] =	vst.add.f32.msk $0xffff, v0  }
0x89: {  	v0 =	vld [tilespmem:s22+$0xC140]  }
0x8a: {  	v5 =	vld [tilespmem:s22+$0xC150]  }
0x8b: {  	v6 =	vld [tilespmem:s22+$0xC160]  }
0x8c: {  	[tilespmem:s22+$0x4100] =	vst.add.f32.msk $0xffff, v1  }
0x8d: {  	[tilespmem:s22+$0x4110] =	vst.add.f32.msk $0xffff, v2  }
.Ltmp2:
0x8e: {  	[tilespmem:s22+$0x4120] =	vst.add.f32.msk $0xffff, v3;
	(pc) =	sbr.rel @p1 .LBB2_6-.Ltmp2, $4  }
0x8f: {  	[tilespmem:s22+$0x4130] =	vst.add.f32.msk $0xffff, v4  }
0x90: {  	[tilespmem:s22+$0x4140] =	vst.add.f32.msk $0xffff, v0  }
0x91: {  	[tilespmem:s22+$0x4150] =	vst.add.f32.msk $0xffff, v5  }
0x92: {  	[tilespmem:s22+$0x4160] =	vst.add.f32.msk $0xffff, v6;
	s22 =	sshra.s32 s25, $0x2;
	s25 =	sadd.s32 $0x200, s25  }
0x93: {  	v0 =	vld [tilespmem:s22+$0xC170]  }
0x94: {  	v1 =	vld [tilespmem:s22+$0xC100]  }
0x95: {  	v2 =	vld [tilespmem:s22+$0xC110]  }
0x96: {  	v3 =	vld [tilespmem:s22+$0xC120]  }
0x97: {  	v4 =	vld [tilespmem:s22+$0xC130]  }
0x98: {  	v63 =	vld [tilespmem:s22+$0xC140]  }
0x99: {  	v5 =	vld [tilespmem:s22+$0xC150]  }
0x9a: {  	v6 =	vld [tilespmem:s22+$0xC160]  }
0x9b: {  	[tilespmem:s22+$0x4170] =	vst.add.f32.msk $0xffff, v0  }
0x9c: {  	[tilespmem:s22+$0x4100] =	vst.add.f32.msk $0xffff, v1  }
0x9d: {  	[tilespmem:s22+$0x4110] =	vst.add.f32.msk $0xffff, v2  }
0x9e: {  	[tilespmem:s22+$0x4120] =	vst.add.f32.msk $0xffff, v3  }
0x9f: {  	[tilespmem:s22+$0x4130] =	vst.add.f32.msk $0xffff, v4  }
0xa0: {  	[tilespmem:s22+$0x4140] =	vst.add.f32.msk $0xffff, v63  }
0xa1: {  	[tilespmem:s22+$0x4150] =	vst.add.f32.msk $0xffff, v5  }
0xa2: {  	s25 =	simm.s32 $0x0;
	[tilespmem:s22+$0x4160] =	vst.add.f32.msk $0xffff, v6  }
0xa3: {  	[hbm4b:s12+s25] =	stream.linear.scatter [tilespmem:s21], [sflag:$0x2], $0x2000, $0x38;
	[tilespmem:$0x12100] =	vst v63  }
0xa4: {  	_ =	swait.ge [sflag:s30], $0x2000  }
0xa5: {  	[sflag:s30] =	ssyncset.done $0x0  }
0xa6: {  	[sflag:s30] =	ssyncadd.s32 $0xFFFFE000  }
0xa7: {  	_ =	swait.ge [sflag:s31], $0x2000  }
0xa8: {  	[sflag:s31] =	ssyncset.done $0x0  }
0xa9: {  	s22 =	simm.s32 $0x0;
	s25 =	simm.s32 $0x200;
	[sflag:s31] =	ssyncadd.s32 $0xFFFFE000  }
.LBB2_8:
0xaa: {  	p1 =	sne.s32 s25, $0x7E00;
	v0 =	vld [tilespmem:s22+$0xE170]  }
0xab: {  	v1 =	vld [tilespmem:s22+$0xE100]  }
0xac: {  	v2 =	vld [tilespmem:s22+$0xE110]  }
0xad: {  	v3 =	vld [tilespmem:s22+$0xE120]  }
0xae: {  	v4 =	vld [tilespmem:s22+$0xE130]  }
0xaf: {  	[tilespmem:s22+$0x6170] =	vst.add.f32.msk $0xffff, v0  }
0xb0: {  	v0 =	vld [tilespmem:s22+$0xE140]  }
0xb1: {  	v5 =	vld [tilespmem:s22+$0xE150]  }
0xb2: {  	v6 =	vld [tilespmem:s22+$0xE160]  }
0xb3: {  	[tilespmem:s22+$0x6100] =	vst.add.f32.msk $0xffff, v1  }
0xb4: {  	[tilespmem:s22+$0x6110] =	vst.add.f32.msk $0xffff, v2  }
.Ltmp3:
0xb5: {  	[tilespmem:s22+$0x6120] =	vst.add.f32.msk $0xffff, v3;
	(pc) =	sbr.rel @p1 .LBB2_8-.Ltmp3, $4  }
0xb6: {  	[tilespmem:s22+$0x6130] =	vst.add.f32.msk $0xffff, v4  }
0xb7: {  	[tilespmem:s22+$0x6140] =	vst.add.f32.msk $0xffff, v0  }
0xb8: {  	[tilespmem:s22+$0x6150] =	vst.add.f32.msk $0xffff, v5  }
0xb9: {  	[tilespmem:s22+$0x6160] =	vst.add.f32.msk $0xffff, v6;
	s22 =	sshra.s32 s25, $0x2;
	s25 =	sadd.s32 $0x200, s25  }
0xba: {  	v0 =	vld [tilespmem:s22+$0xE170]  }
0xbb: {  	v1 =	vld [tilespmem:s22+$0xE100]  }
0xbc: {  	v2 =	vld [tilespmem:s22+$0xE110]  }
0xbd: {  	v3 =	vld [tilespmem:s22+$0xE120]  }
0xbe: {  	v4 =	vld [tilespmem:s22+$0xE130]  }
0xbf: {  	v63 =	vld [tilespmem:s22+$0xE140]  }
0xc0: {  	v5 =	vld [tilespmem:s22+$0xE150]  }
0xc1: {  	v6 =	vld [tilespmem:s22+$0xE160]  }
0xc2: {  	[tilespmem:s22+$0x6170] =	vst.add.f32.msk $0xffff, v0  }
0xc3: {  	[tilespmem:s22+$0x6100] =	vst.add.f32.msk $0xffff, v1  }
0xc4: {  	[tilespmem:s22+$0x6110] =	vst.add.f32.msk $0xffff, v2  }
0xc5: {  	[tilespmem:s22+$0x6120] =	vst.add.f32.msk $0xffff, v3  }
0xc6: {  	[tilespmem:s22+$0x6130] =	vst.add.f32.msk $0xffff, v4  }
0xc7: {  	[tilespmem:s22+$0x6140] =	vst.add.f32.msk $0xffff, v63  }
0xc8: {  	[tilespmem:s22+$0x6150] =	vst.add.f32.msk $0xffff, v5  }
0xc9: {  	[tilespmem:s22+$0x6160] =	vst.add.f32.msk $0xffff, v6  }
0xca: {  	[hbm4b:s13+s3] =	stream.linear.scatter [tilespmem:s23], [sflag:$0x2], $0x2000, $0x38;
	[tilespmem:$0x12100] =	vst v63  }
0xcb: {  	_ =	swait.ge [sflag:s0], $0x2000  }
0xcc: {  	[sflag:s0] =	ssyncset.done $0x0  }
0xcd: {  	[sflag:s0] =	ssyncadd.s32 $0xFFFFE000  }
0xce: {  	_ =	swait.ge [sflag:s0], $0x2000  }
0xcf: {  	[sflag:s0] =	ssyncset.done $0x0  }
0xd0: {  	s16 =	sadd.s32 $0x1, s16;
	[sflag:s0] =	ssyncadd.s32 $0xFFFFE000  }
0xd1: {  	p1 =	sne.s32 s16, s14;
	_ =	swait.ge [sflag:s0], $0x2000  }
.Ltmp4:
0xd2: {  	[sflag:s0] =	ssyncset.done $0x0;
	(pc) =	sbr.rel @p1 .LBB2_1-.Ltmp4, $4  }
0xd3: {  	[sflag:s0] =	ssyncadd.s32 $0xFFFFE000  }
0xd4: {  	_ =	swait.ge [sflag:s0], $0x2000  }
0xd5: {  	[sflag:s0] =	ssyncset.done $0x0  }
0xd6: {  	[sflag:s0] =	ssyncadd.s32 $0xFFFFE000  }
0xd7: {  	_ =	sfence.sel $0x180000  }
0xd8: {  	[bflag:$0x0] =	sbarrier.arrive $0xFFFF  }
0xd9: {  	_ =	strace $0x90000047  }
0xda: {  	[bflag:$0x2] =	sbarrier.arrive $0xFFFF  }
0xdb: {  	p0 =	sne.s32 s2, $0x0;
	s0 =	rddreg [dreg:$0x5]  }
0xdc: {  	s0 =	sadd.s32 @!p0 $0x100000, s0  }
0xdd: {  	[sflag:s0] =	ssyncadd.tile.s32 @!p0 $0x1;
	_ =	shalt  }
.Lfunc_end2:
_tile_overlayer_lowered:
.L_overlay_start_2:
0xde: {  	(tag) =	ssettag $0x2  }
0xdf: {  	s0 =	rddreg [dreg:$0x0];
	s2 =	stileid.u32  }
0xe0: {  	s1 =	rddreg [dreg:$0x1];
	p0 =	sne.s32 s2, $0x0  }
0xe1: {  	s3 =	rddreg [dreg:$0x2];
	[bflag:$0x3] =	sbarrier.arrive $0xFFFF;
	s2 =	simm.s32 @!p0 $0x1C05  }
0xe2: {  	[timem:s3], [sflag:s2] =	dma.local @!p0 [hbm:s0], s1  }
0xe3: {  	s0 =	simm.s32 @!p0 $0x5  }
0xe4: {  	_ =	swait.ge @!p0 [sflag:s0], s1  }
0xe5: {  	s1 =	ssub.s32 @!p0 $0x0, s1;
	[sflag:s0] =	ssyncset.done @!p0 $0x0  }
0xe6: {  	[sflag:s0] =	ssyncadd.s32 @!p0 s1  }
0xe7: {  	[bflag:$0x3] =	sbarrier.arrive $0xFFFF  }
0xe8: {  	_ =	shalt  }

</sc_bundles>
